<compile_context>
chip_gen: v7x
topology: tpu7x:2x2x1
jax: 0.10.2.dev20260603
libtpu: 0.0.44.dev20260713+nightly
codegen_flags: <defaults>
</compile_context>

<pallas_src>
import functools

import jax
import jax.numpy as jnp
from jax import lax
from jax.experimental import pallas as pl
from jax.experimental.pallas import tpu as pltpu
from jax.experimental.pallas import tpu_sc as plsc

NC = 2
NS = 16
NW = NC * NS
B = 104
STRIP = 624
PAD = 1024


def _sc_aggregate(node, src_pad, dst_pad, zrow, onesrow, *, n, d):
    e_pad = src_pad.shape[0]
    kpw = e_pad // (NW * B)
    epw = kpw * B
    rem = n - NS * STRIP
    nz = STRIP // B

    mesh = plsc.VectorSubcoreMesh(core_axis_name="c", subcore_axis_name="s")

    @functools.partial(
        pl.kernel,
        out_type=(
            jax.ShapeDtypeStruct((NC, n, d), jnp.float32),
            jax.ShapeDtypeStruct((NC, n, d), jnp.float32),
        ),
        mesh=mesh,
        scratch_types=[
            pltpu.VMEM((B,), jnp.int32),
            pltpu.VMEM((B,), jnp.int32),
            pltpu.VMEM((B,), jnp.int32),
            pltpu.VMEM((B,), jnp.int32),
            pltpu.VMEM((B, d), jnp.float32),
            pltpu.VMEM((B, d), jnp.float32),
            pltpu.VMEM((B, d), jnp.float32),
            pltpu.VMEM_SHARED((n + PAD, d), jnp.float32),
            pltpu.SemaphoreType.DMA,
            pltpu.SemaphoreType.DMA,
            pltpu.SemaphoreType.DMA,
            pltpu.SemaphoreType.DMA,
        ],
    )
    def agg(node_h, src_h, dst_h, zr_h, ones_h, sums_o, cnts_o,
            sidx0, sidx1, didx0, didx1, rows0, rows1, ones_v, accum,
            semg0, semg1, sems0, sems1):
        sidx = (sidx0, sidx1)
        didx = (didx0, didx1)
        rows = (rows0, rows1)
        semg = (semg0, semg1)
        sems = (sems0, sems1)
        rows_v = rows0
        cid = lax.axis_index("c")
        sid = lax.axis_index("s")
        wid = sid * NC + cid
        row0 = sid * STRIP
        ebase = wid * epw
        pad_tile = PAD // NS

        def zero_accum():
            for r in range(nz):
                pltpu.sync_copy(rows_v, accum.at[pl.ds(row0 + r * B, B)])
            pltpu.sync_copy(
                rows_v.at[pl.ds(0, pad_tile)],
                accum.at[pl.ds(NS * STRIP + rem + sid * pad_tile, pad_tile)])

            @pl.when(sid == 0)
            def _zero_rem():
                pltpu.sync_copy(rows_v.at[pl.ds(0, rem)],
                                accum.at[pl.ds(NS * STRIP, rem)])

        def write_out(out_ref):
            for r in range(nz):
                b = r % 2
                sl = pl.ds(row0 + r * B, B)
                if r >= 2:
                    pltpu.make_async_copy(
                        rows[b], out_ref.at[cid, pl.ds(row0 + (r - 2) * B, B)],
                        sems[b]).wait()
                pltpu.sync_copy(accum.at[sl], rows[b])
                pltpu.async_copy(rows[b], out_ref.at[cid, sl], sems[b])
            for r in range(nz - 2, nz):
                b = r % 2
                pltpu.make_async_copy(
                    rows[b], out_ref.at[cid, pl.ds(row0 + r * B, B)],
                    sems[b]).wait()

            @pl.when(sid == 0)
            def _write_rem():
                pltpu.sync_copy(accum.at[pl.ds(NS * STRIP, rem)],
                                rows0.at[pl.ds(0, rem)])
                pltpu.sync_copy(rows0.at[pl.ds(0, rem)],
                                out_ref.at[cid, pl.ds(NS * STRIP, rem)])

        pltpu.sync_copy(zr_h, rows_v)
        pltpu.sync_copy(ones_h, ones_v)
        zero_accum()
        plsc.subcore_barrier()

        def idx_off(k):
            return pl.multiple_of(ebase + k * B, 8)

        for b in range(2):
            pltpu.sync_copy(src_h.at[pl.ds(idx_off(b), B)], sidx[b])
            pltpu.sync_copy(dst_h.at[pl.ds(idx_off(b), B)], didx[b])
            pltpu.async_copy(node_h.at[sidx[b]], rows[b], semg[b])

        def step1(i, carry):
            for b in range(2):
                pltpu.make_async_copy(node_h.at[sidx[b]], rows[b],
                                      semg[b]).wait()
                pltpu.async_copy(rows[b], accum.at[didx[b]], sems[b],
                                 add=True)
            for b in range(2):
                k = i * 2 + b
                pltpu.make_async_copy(rows[b], accum.at[didx[b]],
                                      sems[b]).wait()

                @pl.when(k + 2 < kpw)
                def _prefetch():
                    pltpu.sync_copy(src_h.at[pl.ds(idx_off(k + 2), B)],
                                    sidx[b])
                    pltpu.sync_copy(dst_h.at[pl.ds(idx_off(k + 2), B)],
                                    didx[b])
                    pltpu.async_copy(node_h.at[sidx[b]], rows[b], semg[b])
            return carry

        lax.fori_loop(0, kpw // 2, step1, 0)
        plsc.subcore_barrier()
        write_out(sums_o)
        plsc.subcore_barrier()

        pltpu.sync_copy(zr_h, rows_v)
        zero_accum()
        plsc.subcore_barrier()

        for b in range(2):
            pltpu.async_copy(dst_h.at[pl.ds(idx_off(b), B)], didx[b],
                             semg[b])

        def step2(i, carry):
            for b in range(2):
                k = i * 2 + b
                pltpu.make_async_copy(dst_h.at[pl.ds(idx_off(k), B)],
                                      didx[b], semg[b]).wait()
                pltpu.async_copy(ones_v, accum.at[didx[b]], sems[b],
                                 add=True)
            for b in range(2):
                k = i * 2 + b
                pltpu.make_async_copy(ones_v, accum.at[didx[b]],
                                      sems[b]).wait()

                @pl.when(k + 2 < kpw)
                def _prefetch():
                    pltpu.async_copy(dst_h.at[pl.ds(idx_off(k + 2), B)],
                                     didx[b], semg[b])
            return carry

        lax.fori_loop(0, kpw // 2, step2, 0)
        plsc.subcore_barrier()
        write_out(cnts_o)

    return agg(node, src_pad, dst_pad, zrow, onesrow)


def _tc_finish(sums, cnts, x, wl, wr, *, n, d, bn):
    def body(s_ref, c_ref, x_ref, wl_ref, wr_ref, o_ref):
        s = s_ref[0] + s_ref[1]
        c = c_ref[0, :, 0:1] + c_ref[1, :, 0:1]
        mean = s / jnp.clip(c, 1.0, None)
        o_ref[...] = (
            jnp.dot(mean, wl_ref[...], preferred_element_type=jnp.float32)
            + jnp.dot(x_ref[...], wr_ref[...],
                      preferred_element_type=jnp.float32))

    grid = (n // bn,)
    return pl.pallas_call(
        body,
        grid=grid,
        in_specs=[
            pl.BlockSpec((NC, bn, d), lambda i: (0, i, 0)),
            pl.BlockSpec((NC, bn, d), lambda i: (0, i, 0)),
            pl.BlockSpec((bn, d), lambda i: (i, 0)),
            pl.BlockSpec((d, d), lambda i: (0, 0)),
            pl.BlockSpec((d, d), lambda i: (0, 0)),
        ],
        out_specs=pl.BlockSpec((bn, d), lambda i: (i, 0)),
        out_shape=jax.ShapeDtypeStruct((n, d), jnp.float32),
    )(sums, cnts, x, wl, wr)


def kernel(node_feature, edge_index, W_l, W_r):
    n, d = node_feature.shape
    e = edge_index.shape[1]
    e_pad = ((e + 2 * NW * B - 1) // (2 * NW * B)) * (2 * NW * B)
    npad = e_pad - e
    fill = jnp.arange(npad, dtype=jnp.int32)
    src_pad = jnp.concatenate([edge_index[0], fill % n])
    dst_pad = jnp.concatenate([edge_index[1], n + (fill % PAD)])
    zrow = jnp.zeros((B, d), jnp.float32)
    onesrow = jnp.ones((B, d), jnp.float32)
    sums, cnts = _sc_aggregate(node_feature, src_pad, dst_pad, zrow, onesrow,
                               n=n, d=d)
    return _tc_finish(sums, cnts, node_feature, W_l, W_r, n=n, d=d, bn=1000)

# --- scband reference (transcript-rebuilt; emitter-appended) ---
"""Pipeline reference for scband-sageconv-19731079758620 (READ-ONLY COPY).

The authoritative reference and input builder live on the scoring server;
editing this copy changes nothing except your own understanding.
"""

import jax, jax.numpy as jnp
import numpy as np

N = 10000
E = 320000
D_IN = 128
D_OUT = 128


def setup_inputs(seed: int = 0) -> dict:
    key = jax.random.key(seed)
    k1, k2, k3, k4 = jax.random.split(key, 4)
    node_feature = jax.random.normal(k1, (N, D_IN), dtype=jnp.float32)
    edge_index = jax.random.randint(k2, (2, E), 0, N, dtype=jnp.int32)
    # PyG SAGEConv (aggr='mean', root_weight=True, bias=False) has two linear maps:
    # lin_l applied to aggregated neighbor features, lin_r applied to root features.
    W_l = jax.random.normal(k3, (D_IN, D_OUT), dtype=jnp.float32) * (1.0 / np.sqrt(D_IN))
    W_r = jax.random.normal(k4, (D_IN, D_OUT), dtype=jnp.float32) * (1.0 / np.sqrt(D_IN))
    return {"node_feature": node_feature, "edge_index": edge_index, "W_l": W_l, "W_r": W_r}


def reference(node_feature, edge_index, W_l, W_r):
    # SAGEConv forward: out = mean_{j in N(i)} x_j @ W_l + x_i @ W_r
    src = edge_index[0]
    dst = edge_index[1]
    msgs = jnp.take(node_feature, src, axis=0)  # gather source node features per edge
    summed = jax.ops.segment_sum(msgs, dst, num_segments=N)  # scatter-add by destination
    counts = jax.ops.segment_sum(jnp.ones((E,), dtype=node_feature.dtype), dst, num_segments=N)
    mean_agg = summed / jnp.clip(counts, 1.0, None)[:, None]
    out = mean_agg @ W_l + node_feature @ W_r
    return out

if __name__ == "__main__":
    import jax
    _d = setup_inputs()
    print(jax.jit(kernel)(*tuple(_d.values())))

</pallas_src>

<mosaic_0001>
#map = affine_map<(d0, d1) -> (0, 0)>
#map1 = affine_map<(d0, d1) -> (0)>
#map2 = affine_map<(d0, d1) -> (0, 0, 0)>
module attributes {stable_mosaic.version = 14 : i64} {
  func.func @agg(%arg0: i32, %arg1: i32, %arg2: memref<10000x128xf32, #tpu.memory_space<hbm>>, %arg3: memref<326144xi32, #tpu.memory_space<hbm>>, %arg4: memref<326144xi32, #tpu.memory_space<hbm>>, %arg5: memref<104x128xf32, #tpu.memory_space<hbm>>, %arg6: memref<104x128xf32, #tpu.memory_space<hbm>>, %arg7: memref<2x10000x128xf32, #tpu.memory_space<hbm>>, %arg8: memref<2x10000x128xf32, #tpu.memory_space<hbm>>, %arg9: memref<104xi32, #tpu.memory_space<vmem>>, %arg10: memref<104xi32, #tpu.memory_space<vmem>>, %arg11: memref<104xi32, #tpu.memory_space<vmem>>, %arg12: memref<104xi32, #tpu.memory_space<vmem>>, %arg13: memref<104x128xf32, #tpu.memory_space<vmem>>, %arg14: memref<104x128xf32, #tpu.memory_space<vmem>>, %arg15: memref<104x128xf32, #tpu.memory_space<vmem>>, %arg16: memref<11024x128xf32, #tpu.memory_space<vmem_shared>>, %arg17: memref<!tpu.dma_semaphore, #tpu.memory_space<semaphore_mem>>, %arg18: memref<!tpu.dma_semaphore, #tpu.memory_space<semaphore_mem>>, %arg19: memref<!tpu.dma_semaphore, #tpu.memory_space<semaphore_mem>>, %arg20: memref<!tpu.dma_semaphore, #tpu.memory_space<semaphore_mem>>) attributes {dimension_semantics = [#tpu.dimension_semantics<core_parallel>, #tpu.dimension_semantics<subcore_parallel>], iteration_bounds = array<i64: 2, 16>, scalar_prefetch = 0 : i64, scratch_operands = 12 : i64, tpu.core_type = #tpu.core_type<sc_vector_subcore>, window_params = [{transform_indices = #map}, {transform_indices = #map1}, {transform_indices = #map1}, {transform_indices = #map}, {transform_indices = #map}, {transform_indices = #map2}, {transform_indices = #map2}]} {
    %mul3A = arith.constant 2 : i32
    %mul3A_0 = arith.muli %arg1, %mul3A : i32
    %add3A = arith.addi %mul3A_0, %arg0 : i32
    %mul3A_1 = arith.constant 624 : i32
    %mul3A_2 = arith.muli %arg1, %mul3A_1 : i32
    %mul3A_3 = arith.constant 10192 : i32
    %mul3A_4 = arith.muli %add3A, %mul3A_3 : i32
    "tpu.region"() ({
      %run_scoped3A = tpu.sem_alloc : memref<!tpu.dma_semaphore, #tpu.memory_space<semaphore_mem>>
      tpu.enqueue_dma source(%arg5 : memref<104x128xf32, #tpu.memory_space<hbm>>) target(%arg13 : memref<104x128xf32, #tpu.memory_space<vmem>>) target_semaphore(%run_scoped3A : memref<!tpu.dma_semaphore, #tpu.memory_space<semaphore_mem>>)
      tpu.wait_dma2 semaphore(%run_scoped3A : memref<!tpu.dma_semaphore, #tpu.memory_space<semaphore_mem>>) src(%arg5 : memref<104x128xf32, #tpu.memory_space<hbm>>) dst(%arg13 : memref<104x128xf32, #tpu.memory_space<vmem>>)
      tpu.yield
    }) : () -> ()
    "tpu.region"() ({
      %run_scoped3A = tpu.sem_alloc : memref<!tpu.dma_semaphore, #tpu.memory_space<semaphore_mem>>
      tpu.enqueue_dma source(%arg6 : memref<104x128xf32, #tpu.memory_space<hbm>>) target(%arg15 : memref<104x128xf32, #tpu.memory_space<vmem>>) target_semaphore(%run_scoped3A : memref<!tpu.dma_semaphore, #tpu.memory_space<semaphore_mem>>)
      tpu.wait_dma2 semaphore(%run_scoped3A : memref<!tpu.dma_semaphore, #tpu.memory_space<semaphore_mem>>) src(%arg6 : memref<104x128xf32, #tpu.memory_space<hbm>>) dst(%arg15 : memref<104x128xf32, #tpu.memory_space<vmem>>)
      tpu.yield
    }) : () -> ()
    %add3A_5 = arith.constant 0 : i32
    %add3A_6 = arith.addi %mul3A_2, %add3A_5 : i32
    "tpu.region"() ({
      %run_scoped3A = tpu.sem_alloc : memref<!tpu.dma_semaphore, #tpu.memory_space<semaphore_mem>>
      %dma_start3A_286 = arith.constant 0 : i32
      %dma_start3A_287 = tpu.memref_slice %arg16[%add3A_6, %dma_start3A_286] : memref<11024x128xf32, #tpu.memory_space<vmem_shared>> -> memref<104x128xf32, #tpu.memory_space<vmem_shared>>
      %dma_start3A_288 = arith.constant 0 : i32
      %dma_start3A_289 = tpu.memref_slice %arg16[%add3A_6, %dma_start3A_288] : memref<11024x128xf32, #tpu.memory_space<vmem_shared>> -> memref<104x128xf32, #tpu.memory_space<vmem_shared>>
      tpu.enqueue_dma source(%arg13 : memref<104x128xf32, #tpu.memory_space<vmem>>) target(%dma_start3A_289 : memref<104x128xf32, #tpu.memory_space<vmem_shared>>) target_semaphore(%run_scoped3A : memref<!tpu.dma_semaphore, #tpu.memory_space<semaphore_mem>>)
      %dma_wait3A_290 = arith.constant 0 : i32
      %dma_wait3A_291 = tpu.memref_slice %arg16[%add3A_6, %dma_wait3A_290] : memref<11024x128xf32, #tpu.memory_space<vmem_shared>> -> memref<104x128xf32, #tpu.memory_space<vmem_shared>>
      %dma_wait3A_292 = arith.constant 0 : i32
      %dma_wait3A_293 = tpu.memref_slice %arg16[%add3A_6, %dma_wait3A_292] : memref<11024x128xf32, #tpu.memory_space<vmem_shared>> -> memref<104x128xf32, #tpu.memory_space<vmem_shared>>
      tpu.wait_dma2 semaphore(%run_scoped3A : memref<!tpu.dma_semaphore, #tpu.memory_space<semaphore_mem>>) src(%arg13 : memref<104x128xf32, #tpu.memory_space<vmem>>) dst(%dma_wait3A_293 : memref<104x128xf32, #tpu.memory_space<vmem_shared>>)
      tpu.yield
    }) : () -> ()
    %add3A_7 = arith.constant 104 : i32
    %add3A_8 = arith.addi %mul3A_2, %add3A_7 : i32
    "tpu.region"() ({
      %run_scoped3A = tpu.sem_alloc : memref<!tpu.dma_semaphore, #tpu.memory_space<semaphore_mem>>
      %dma_start3A_286 = arith.constant 0 : i32
      %dma_start3A_287 = tpu.memref_slice %arg16[%add3A_8, %dma_start3A_286] : memref<11024x128xf32, #tpu.memory_space<vmem_shared>> -> memref<104x128xf32, #tpu.memory_space<vmem_shared>>
      %dma_start3A_288 = arith.constant 0 : i32
      %dma_start3A_289 = tpu.memref_slice %arg16[%add3A_8, %dma_start3A_288] : memref<11024x128xf32, #tpu.memory_space<vmem_shared>> -> memref<104x128xf32, #tpu.memory_space<vmem_shared>>
      tpu.enqueue_dma source(%arg13 : memref<104x128xf32, #tpu.memory_space<vmem>>) target(%dma_start3A_289 : memref<104x128xf32, #tpu.memory_space<vmem_shared>>) target_semaphore(%run_scoped3A : memref<!tpu.dma_semaphore, #tpu.memory_space<semaphore_mem>>)
      %dma_wait3A_290 = arith.constant 0 : i32
      %dma_wait3A_291 = tpu.memref_slice %arg16[%add3A_8, %dma_wait3A_290] : memref<11024x128xf32, #tpu.memory_space<vmem_shared>> -> memref<104x128xf32, #tpu.memory_space<vmem_shared>>
      %dma_wait3A_292 = arith.constant 0 : i32
      %dma_wait3A_293 = tpu.memref_slice %arg16[%add3A_8, %dma_wait3A_292] : memref<11024x128xf32, #tpu.memory_space<vmem_shared>> -> memref<104x128xf32, #tpu.memory_space<vmem_shared>>
      tpu.wait_dma2 semaphore(%run_scoped3A : memref<!tpu.dma_semaphore, #tpu.memory_space<semaphore_mem>>) src(%arg13 : memref<104x128xf32, #tpu.memory_space<vmem>>) dst(%dma_wait3A_293 : memref<104x128xf32, #tpu.memory_space<vmem_shared>>)
      tpu.yield
    }) : () -> ()
    %add3A_9 = arith.constant 208 : i32
    %add3A_10 = arith.addi %mul3A_2, %add3A_9 : i32
    "tpu.region"() ({
      %run_scoped3A = tpu.sem_alloc : memref<!tpu.dma_semaphore, #tpu.memory_space<semaphore_mem>>
      %dma_start3A_286 = arith.constant 0 : i32
      %dma_start3A_287 = tpu.memref_slice %arg16[%add3A_10, %dma_start3A_286] : memref<11024x128xf32, #tpu.memory_space<vmem_shared>> -> memref<104x128xf32, #tpu.memory_space<vmem_shared>>
      %dma_start3A_288 = arith.constant 0 : i32
      %dma_start3A_289 = tpu.memref_slice %arg16[%add3A_10, %dma_start3A_288] : memref<11024x128xf32, #tpu.memory_space<vmem_shared>> -> memref<104x128xf32, #tpu.memory_space<vmem_shared>>
      tpu.enqueue_dma source(%arg13 : memref<104x128xf32, #tpu.memory_space<vmem>>) target(%dma_start3A_289 : memref<104x128xf32, #tpu.memory_space<vmem_shared>>) target_semaphore(%run_scoped3A : memref<!tpu.dma_semaphore, #tpu.memory_space<semaphore_mem>>)
      %dma_wait3A_290 = arith.constant 0 : i32
      %dma_wait3A_291 = tpu.memref_slice %arg16[%add3A_10, %dma_wait3A_290] : memref<11024x128xf32, #tpu.memory_space<vmem_shared>> -> memref<104x128xf32, #tpu.memory_space<vmem_shared>>
      %dma_wait3A_292 = arith.constant 0 : i32
      %dma_wait3A_293 = tpu.memref_slice %arg16[%add3A_10, %dma_wait3A_292] : memref<11024x128xf32, #tpu.memory_space<vmem_shared>> -> memref<104x128xf32, #tpu.memory_space<vmem_shared>>
      tpu.wait_dma2 semaphore(%run_scoped3A : memref<!tpu.dma_semaphore, #tpu.memory_space<semaphore_mem>>) src(%arg13 : memref<104x128xf32, #tpu.memory_space<vmem>>) dst(%dma_wait3A_293 : memref<104x128xf32, #tpu.memory_space<vmem_shared>>)
      tpu.yield
    }) : () -> ()
    %add3A_11 = arith.constant 312 : i32
    %add3A_12 = arith.addi %mul3A_2, %add3A_11 : i32
    "tpu.region"() ({
      %run_scoped3A = tpu.sem_alloc : memref<!tpu.dma_semaphore, #tpu.memory_space<semaphore_mem>>
      %dma_start3A_286 = arith.constant 0 : i32
      %dma_start3A_287 = tpu.memref_slice %arg16[%add3A_12, %dma_start3A_286] : memref<11024x128xf32, #tpu.memory_space<vmem_shared>> -> memref<104x128xf32, #tpu.memory_space<vmem_shared>>
      %dma_start3A_288 = arith.constant 0 : i32
      %dma_start3A_289 = tpu.memref_slice %arg16[%add3A_12, %dma_start3A_288] : memref<11024x128xf32, #tpu.memory_space<vmem_shared>> -> memref<104x128xf32, #tpu.memory_space<vmem_shared>>
      tpu.enqueue_dma source(%arg13 : memref<104x128xf32, #tpu.memory_space<vmem>>) target(%dma_start3A_289 : memref<104x128xf32, #tpu.memory_space<vmem_shared>>) target_semaphore(%run_scoped3A : memref<!tpu.dma_semaphore, #tpu.memory_space<semaphore_mem>>)
      %dma_wait3A_290 = arith.constant 0 : i32
      %dma_wait3A_291 = tpu.memref_slice %arg16[%add3A_12, %dma_wait3A_290] : memref<11024x128xf32, #tpu.memory_space<vmem_shared>> -> memref<104x128xf32, #tpu.memory_space<vmem_shared>>
      %dma_wait3A_292 = arith.constant 0 : i32
      %dma_wait3A_293 = tpu.memref_slice %arg16[%add3A_12, %dma_wait3A_292] : memref<11024x128xf32, #tpu.memory_space<vmem_shared>> -> memref<104x128xf32, #tpu.memory_space<vmem_shared>>
      tpu.wait_dma2 semaphore(%run_scoped3A : memref<!tpu.dma_semaphore, #tpu.memory_space<semaphore_mem>>) src(%arg13 : memref<104x128xf32, #tpu.memory_space<vmem>>) dst(%dma_wait3A_293 : memref<104x128xf32, #tpu.memory_space<vmem_shared>>)
      tpu.yield
    }) : () -> ()
    %add3A_13 = arith.constant 416 : i32
    %add3A_14 = arith.addi %mul3A_2, %add3A_13 : i32
    "tpu.region"() ({
      %run_scoped3A = tpu.sem_alloc : memref<!tpu.dma_semaphore, #tpu.memory_space<semaphore_mem>>
      %dma_start3A_286 = arith.constant 0 : i32
      %dma_start3A_287 = tpu.memref_slice %arg16[%add3A_14, %dma_start3A_286] : memref<11024x128xf32, #tpu.memory_space<vmem_shared>> -> memref<104x128xf32, #tpu.memory_space<vmem_shared>>
      %dma_start3A_288 = arith.constant 0 : i32
      %dma_start3A_289 = tpu.memref_slice %arg16[%add3A_14, %dma_start3A_288] : memref<11024x128xf32, #tpu.memory_space<vmem_shared>> -> memref<104x128xf32, #tpu.memory_space<vmem_shared>>
      tpu.enqueue_dma source(%arg13 : memref<104x128xf32, #tpu.memory_space<vmem>>) target(%dma_start3A_289 : memref<104x128xf32, #tpu.memory_space<vmem_shared>>) target_semaphore(%run_scoped3A : memref<!tpu.dma_semaphore, #tpu.memory_space<semaphore_mem>>)
      %dma_wait3A_290 = arith.constant 0 : i32
      %dma_wait3A_291 = tpu.memref_slice %arg16[%add3A_14, %dma_wait3A_290] : memref<11024x128xf32, #tpu.memory_space<vmem_shared>> -> memref<104x128xf32, #tpu.memory_space<vmem_shared>>
      %dma_wait3A_292 = arith.constant 0 : i32
      %dma_wait3A_293 = tpu.memref_slice %arg16[%add3A_14, %dma_wait3A_292] : memref<11024x128xf32, #tpu.memory_space<vmem_shared>> -> memref<104x128xf32, #tpu.memory_space<vmem_shared>>
      tpu.wait_dma2 semaphore(%run_scoped3A : memref<!tpu.dma_semaphore, #tpu.memory_space<semaphore_mem>>) src(%arg13 : memref<104x128xf32, #tpu.memory_space<vmem>>) dst(%dma_wait3A_293 : memref<104x128xf32, #tpu.memory_space<vmem_shared>>)
      tpu.yield
    }) : () -> ()
    %add3A_15 = arith.constant 520 : i32
    %add3A_16 = arith.addi %mul3A_2, %add3A_15 : i32
    "tpu.region"() ({
      %run_scoped3A = tpu.sem_alloc : memref<!tpu.dma_semaphore, #tpu.memory_space<semaphore_mem>>
      %dma_start3A_286 = arith.constant 0 : i32
      %dma_start3A_287 = tpu.memref_slice %arg16[%add3A_16, %dma_start3A_286] : memref<11024x128xf32, #tpu.memory_space<vmem_shared>> -> memref<104x128xf32, #tpu.memory_space<vmem_shared>>
      %dma_start3A_288 = arith.constant 0 : i32
      %dma_start3A_289 = tpu.memref_slice %arg16[%add3A_16, %dma_start3A_288] : memref<11024x128xf32, #tpu.memory_space<vmem_shared>> -> memref<104x128xf32, #tpu.memory_space<vmem_shared>>
      tpu.enqueue_dma source(%arg13 : memref<104x128xf32, #tpu.memory_space<vmem>>) target(%dma_start3A_289 : memref<104x128xf32, #tpu.memory_space<vmem_shared>>) target_semaphore(%run_scoped3A : memref<!tpu.dma_semaphore, #tpu.memory_space<semaphore_mem>>)
      %dma_wait3A_290 = arith.constant 0 : i32
      %dma_wait3A_291 = tpu.memref_slice %arg16[%add3A_16, %dma_wait3A_290] : memref<11024x128xf32, #tpu.memory_space<vmem_shared>> -> memref<104x128xf32, #tpu.memory_space<vmem_shared>>
      %dma_wait3A_292 = arith.constant 0 : i32
      %dma_wait3A_293 = tpu.memref_slice %arg16[%add3A_16, %dma_wait3A_292] : memref<11024x128xf32, #tpu.memory_space<vmem_shared>> -> memref<104x128xf32, #tpu.memory_space<vmem_shared>>
      tpu.wait_dma2 semaphore(%run_scoped3A : memref<!tpu.dma_semaphore, #tpu.memory_space<semaphore_mem>>) src(%arg13 : memref<104x128xf32, #tpu.memory_space<vmem>>) dst(%dma_wait3A_293 : memref<104x128xf32, #tpu.memory_space<vmem_shared>>)
      tpu.yield
    }) : () -> ()
    %mul3A_17 = arith.constant 64 : i32
    %mul3A_18 = arith.muli %arg1, %mul3A_17 : i32
    %add3A_19 = arith.constant 10000 : i32
    %add3A_20 = arith.addi %add3A_19, %mul3A_18 : i32
    "tpu.region"() ({
      %run_scoped3A = tpu.sem_alloc : memref<!tpu.dma_semaphore, #tpu.memory_space<semaphore_mem>>
      %dma_start3A_286 = arith.constant 0 : i32
      %dma_start3A_287 = arith.constant 0 : i32
      %dma_start3A_288 = tpu.memref_slice %arg13[%dma_start3A_286, %dma_start3A_287] : memref<104x128xf32, #tpu.memory_space<vmem>> -> memref<64x128xf32, #tpu.memory_space<vmem>>
      %dma_start3A_289 = arith.constant 0 : i32
      %dma_start3A_290 = tpu.memref_slice %arg16[%add3A_20, %dma_start3A_289] : memref<11024x128xf32, #tpu.memory_space<vmem_shared>> -> memref<64x128xf32, #tpu.memory_space<vmem_shared>>
      %dma_start3A_291 = arith.constant 0 : i32
      %dma_start3A_292 = tpu.memref_slice %arg16[%add3A_20, %dma_start3A_291] : memref<11024x128xf32, #tpu.memory_space<vmem_shared>> -> memref<64x128xf32, #tpu.memory_space<vmem_shared>>
      %dma_start3A_293 = arith.constant 0 : i32
      %dma_start3A_294 = arith.constant 0 : i32
      %dma_start3A_295 = tpu.memref_slice %arg13[%dma_start3A_293, %dma_start3A_294] : memref<104x128xf32, #tpu.memory_space<vmem>> -> memref<64x128xf32, #tpu.memory_space<vmem>>
      tpu.enqueue_dma source(%dma_start3A_295 : memref<64x128xf32, #tpu.memory_space<vmem>>) target(%dma_start3A_292 : memref<64x128xf32, #tpu.memory_space<vmem_shared>>) target_semaphore(%run_scoped3A : memref<!tpu.dma_semaphore, #tpu.memory_space<semaphore_mem>>)
      %dma_wait3A_296 = arith.constant 0 : i32
      %dma_wait3A_297 = arith.constant 0 : i32
      %dma_wait3A_298 = tpu.memref_slice %arg13[%dma_wait3A_296, %dma_wait3A_297] : memref<104x128xf32, #tpu.memory_space<vmem>> -> memref<64x128xf32, #tpu.memory_space<vmem>>
      %dma_wait3A_299 = arith.constant 0 : i32
      %dma_wait3A_300 = tpu.memref_slice %arg16[%add3A_20, %dma_wait3A_299] : memref<11024x128xf32, #tpu.memory_space<vmem_shared>> -> memref<64x128xf32, #tpu.memory_space<vmem_shared>>
      %dma_wait3A_301 = arith.constant 0 : i32
      %dma_wait3A_302 = tpu.memref_slice %arg16[%add3A_20, %dma_wait3A_301] : memref<11024x128xf32, #tpu.memory_space<vmem_shared>> -> memref<64x128xf32, #tpu.memory_space<vmem_shared>>
      %dma_wait3A_303 = arith.constant 0 : i32
      %dma_wait3A_304 = arith.constant 0 : i32
      %dma_wait3A_305 = tpu.memref_slice %arg13[%dma_wait3A_303, %dma_wait3A_304] : memref<104x128xf32, #tpu.memory_space<vmem>> -> memref<64x128xf32, #tpu.memory_space<vmem>>
      tpu.wait_dma2 semaphore(%run_scoped3A : memref<!tpu.dma_semaphore, #tpu.memory_space<semaphore_mem>>) src(%dma_wait3A_305 : memref<64x128xf32, #tpu.memory_space<vmem>>) dst(%dma_wait3A_302 : memref<64x128xf32, #tpu.memory_space<vmem_shared>>)
      tpu.yield
    }) : () -> ()
    %eq3A = arith.constant 0 : i32
    %eq3A_21 = arith.cmpi eq, %arg1, %eq3A : i32
    %convert_element_type3A = arith.extui %eq3A_21 : i1 to i32
    %cond3A = arith.constant 0 : i32
    %cond3A_22 = arith.cmpi ne, %convert_element_type3A, %cond3A : i32
    scf.if %cond3A_22 {
      "tpu.region"() ({
        %run_scoped3A = tpu.sem_alloc : memref<!tpu.dma_semaphore, #tpu.memory_space<semaphore_mem>>
        %dma_start3A_286 = arith.constant 0 : i32
        %dma_start3A_287 = arith.constant 0 : i32
        %dma_start3A_288 = tpu.memref_slice %arg13[%dma_start3A_286, %dma_start3A_287] : memref<104x128xf32, #tpu.memory_space<vmem>> -> memref<16x128xf32, #tpu.memory_space<vmem>>
        %dma_start3A_289 = arith.constant 9984 : i32
        %dma_start3A_290 = arith.constant 0 : i32
        %dma_start3A_291 = tpu.memref_slice %arg16[%dma_start3A_289, %dma_start3A_290] : memref<11024x128xf32, #tpu.memory_space<vmem_shared>> -> memref<16x128xf32, #tpu.memory_space<vmem_shared>>
        %dma_start3A_292 = arith.constant 9984 : i32
        %dma_start3A_293 = arith.constant 0 : i32
        %dma_start3A_294 = tpu.memref_slice %arg16[%dma_start3A_292, %dma_start3A_293] : memref<11024x128xf32, #tpu.memory_space<vmem_shared>> -> memref<16x128xf32, #tpu.memory_space<vmem_shared>>
        %dma_start3A_295 = arith.constant 0 : i32
        %dma_start3A_296 = arith.constant 0 : i32
        %dma_start3A_297 = tpu.memref_slice %arg13[%dma_start3A_295, %dma_start3A_296] : memref<104x128xf32, #tpu.memory_space<vmem>> -> memref<16x128xf32, #tpu.memory_space<vmem>>
        tpu.enqueue_dma source(%dma_start3A_297 : memref<16x128xf32, #tpu.memory_space<vmem>>) target(%dma_start3A_294 : memref<16x128xf32, #tpu.memory_space<vmem_shared>>) target_semaphore(%run_scoped3A : memref<!tpu.dma_semaphore, #tpu.memory_space<semaphore_mem>>)
        %dma_wait3A_298 = arith.constant 0 : i32
        %dma_wait3A_299 = arith.constant 0 : i32
        %dma_wait3A_300 = tpu.memref_slice %arg13[%dma_wait3A_298, %dma_wait3A_299] : memref<104x128xf32, #tpu.memory_space<vmem>> -> memref<16x128xf32, #tpu.memory_space<vmem>>
        %dma_wait3A_301 = arith.constant 9984 : i32
        %dma_wait3A_302 = arith.constant 0 : i32
        %dma_wait3A_303 = tpu.memref_slice %arg16[%dma_wait3A_301, %dma_wait3A_302] : memref<11024x128xf32, #tpu.memory_space<vmem_shared>> -> memref<16x128xf32, #tpu.memory_space<vmem_shared>>
        %dma_wait3A_304 = arith.constant 9984 : i32
        %dma_wait3A_305 = arith.constant 0 : i32
        %dma_wait3A_306 = tpu.memref_slice %arg16[%dma_wait3A_304, %dma_wait3A_305] : memref<11024x128xf32, #tpu.memory_space<vmem_shared>> -> memref<16x128xf32, #tpu.memory_space<vmem_shared>>
        %dma_wait3A_307 = arith.constant 0 : i32
        %dma_wait3A_308 = arith.constant 0 : i32
        %dma_wait3A_309 = tpu.memref_slice %arg13[%dma_wait3A_307, %dma_wait3A_308] : memref<104x128xf32, #tpu.memory_space<vmem>> -> memref<16x128xf32, #tpu.memory_space<vmem>>
        tpu.wait_dma2 semaphore(%run_scoped3A : memref<!tpu.dma_semaphore, #tpu.memory_space<semaphore_mem>>) src(%dma_wait3A_309 : memref<16x128xf32, #tpu.memory_space<vmem>>) dst(%dma_wait3A_306 : memref<16x128xf32, #tpu.memory_space<vmem_shared>>)
        tpu.yield
      }) : () -> ()
    } else {
    }
    %barrier3A = arith.constant 0 : index
    tpu.barrier barrier_id(%barrier3A)
    %add3A_23 = arith.constant 0 : i32
    %add3A_24 = arith.addi %mul3A_4, %add3A_23 : i32
    %multiple_of3A = tpu.assume_multiple %add3A_24, 8 : i32
    "tpu.region"() ({
      %run_scoped3A = tpu.sem_alloc : memref<!tpu.dma_semaphore, #tpu.memory_space<semaphore_mem>>
      %dma_start3A_286 = tpu.memref_slice %arg3[%multiple_of3A] : memref<326144xi32, #tpu.memory_space<hbm>> -> memref<104xi32, #tpu.memory_space<hbm>>
      %dma_start3A_287 = tpu.memref_slice %arg3[%multiple_of3A] : memref<326144xi32, #tpu.memory_space<hbm>> -> memref<104xi32, #tpu.memory_space<hbm>>
      tpu.enqueue_dma source(%dma_start3A_287 : memref<104xi32, #tpu.memory_space<hbm>>) target(%arg9 : memref<104xi32, #tpu.memory_space<vmem>>) target_semaphore(%run_scoped3A : memref<!tpu.dma_semaphore, #tpu.memory_space<semaphore_mem>>)
      %dma_wait3A_288 = tpu.memref_slice %arg3[%multiple_of3A] : memref<326144xi32, #tpu.memory_space<hbm>> -> memref<104xi32, #tpu.memory_space<hbm>>
      %dma_wait3A_289 = tpu.memref_slice %arg3[%multiple_of3A] : memref<326144xi32, #tpu.memory_space<hbm>> -> memref<104xi32, #tpu.memory_space<hbm>>
      tpu.wait_dma2 semaphore(%run_scoped3A : memref<!tpu.dma_semaphore, #tpu.memory_space<semaphore_mem>>) src(%dma_wait3A_289 : memref<104xi32, #tpu.memory_space<hbm>>) dst(%arg9 : memref<104xi32, #tpu.memory_space<vmem>>)
      tpu.yield
    }) : () -> ()
    %add3A_25 = arith.constant 0 : i32
    %add3A_26 = arith.addi %mul3A_4, %add3A_25 : i32
    %multiple_of3A_27 = tpu.assume_multiple %add3A_26, 8 : i32
    "tpu.region"() ({
      %run_scoped3A = tpu.sem_alloc : memref<!tpu.dma_semaphore, #tpu.memory_space<semaphore_mem>>
      %dma_start3A_286 = tpu.memref_slice %arg4[%multiple_of3A_27] : memref<326144xi32, #tpu.memory_space<hbm>> -> memref<104xi32, #tpu.memory_space<hbm>>
      %dma_start3A_287 = tpu.memref_slice %arg4[%multiple_of3A_27] : memref<326144xi32, #tpu.memory_space<hbm>> -> memref<104xi32, #tpu.memory_space<hbm>>
      tpu.enqueue_dma source(%dma_start3A_287 : memref<104xi32, #tpu.memory_space<hbm>>) target(%arg11 : memref<104xi32, #tpu.memory_space<vmem>>) target_semaphore(%run_scoped3A : memref<!tpu.dma_semaphore, #tpu.memory_space<semaphore_mem>>)
      %dma_wait3A_288 = tpu.memref_slice %arg4[%multiple_of3A_27] : memref<326144xi32, #tpu.memory_space<hbm>> -> memref<104xi32, #tpu.memory_space<hbm>>
      %dma_wait3A_289 = tpu.memref_slice %arg4[%multiple_of3A_27] : memref<326144xi32, #tpu.memory_space<hbm>> -> memref<104xi32, #tpu.memory_space<hbm>>
      tpu.wait_dma2 semaphore(%run_scoped3A : memref<!tpu.dma_semaphore, #tpu.memory_space<semaphore_mem>>) src(%dma_wait3A_289 : memref<104xi32, #tpu.memory_space<hbm>>) dst(%arg11 : memref<104xi32, #tpu.memory_space<vmem>>)
      tpu.yield
    }) : () -> ()
    %dma_start3A = arith.constant 0 : i32
    %dma_start3A_28 = arith.constant 0 : i32
    %dma_start3A_29 = tpu.memref_slice %arg2[%dma_start3A, %dma_start3A_28] : memref<10000x128xf32, #tpu.memory_space<hbm>> -> memref<10000x128xf32, #tpu.memory_space<hbm>>
    tpu.enqueue_indirect_dma source(%dma_start3A_29 : memref<10000x128xf32, #tpu.memory_space<hbm>>) target(%arg13 : memref<104x128xf32, #tpu.memory_space<vmem>>) offsets(%arg9 : memref<104xi32, #tpu.memory_space<vmem>>) semaphore(%arg17 : memref<!tpu.dma_semaphore, #tpu.memory_space<semaphore_mem>>)
    %add3A_30 = arith.constant 104 : i32
    %add3A_31 = arith.addi %mul3A_4, %add3A_30 : i32
    %multiple_of3A_32 = tpu.assume_multiple %add3A_31, 8 : i32
    "tpu.region"() ({
      %run_scoped3A = tpu.sem_alloc : memref<!tpu.dma_semaphore, #tpu.memory_space<semaphore_mem>>
      %dma_start3A_286 = tpu.memref_slice %arg3[%multiple_of3A_32] : memref<326144xi32, #tpu.memory_space<hbm>> -> memref<104xi32, #tpu.memory_space<hbm>>
      %dma_start3A_287 = tpu.memref_slice %arg3[%multiple_of3A_32] : memref<326144xi32, #tpu.memory_space<hbm>> -> memref<104xi32, #tpu.memory_space<hbm>>
      tpu.enqueue_dma source(%dma_start3A_287 : memref<104xi32, #tpu.memory_space<hbm>>) target(%arg10 : memref<104xi32, #tpu.memory_space<vmem>>) target_semaphore(%run_scoped3A : memref<!tpu.dma_semaphore, #tpu.memory_space<semaphore_mem>>)
      %dma_wait3A_288 = tpu.memref_slice %arg3[%multiple_of3A_32] : memref<326144xi32, #tpu.memory_space<hbm>> -> memref<104xi32, #tpu.memory_space<hbm>>
      %dma_wait3A_289 = tpu.memref_slice %arg3[%multiple_of3A_32] : memref<326144xi32, #tpu.memory_space<hbm>> -> memref<104xi32, #tpu.memory_space<hbm>>
      tpu.wait_dma2 semaphore(%run_scoped3A : memref<!tpu.dma_semaphore, #tpu.memory_space<semaphore_mem>>) src(%dma_wait3A_289 : memref<104xi32, #tpu.memory_space<hbm>>) dst(%arg10 : memref<104xi32, #tpu.memory_space<vmem>>)
      tpu.yield
    }) : () -> ()
    %add3A_33 = arith.constant 104 : i32
    %add3A_34 = arith.addi %mul3A_4, %add3A_33 : i32
    %multiple_of3A_35 = tpu.assume_multiple %add3A_34, 8 : i32
    "tpu.region"() ({
      %run_scoped3A = tpu.sem_alloc : memref<!tpu.dma_semaphore, #tpu.memory_space<semaphore_mem>>
      %dma_start3A_286 = tpu.memref_slice %arg4[%multiple_of3A_35] : memref<326144xi32, #tpu.memory_space<hbm>> -> memref<104xi32, #tpu.memory_space<hbm>>
      %dma_start3A_287 = tpu.memref_slice %arg4[%multiple_of3A_35] : memref<326144xi32, #tpu.memory_space<hbm>> -> memref<104xi32, #tpu.memory_space<hbm>>
      tpu.enqueue_dma source(%dma_start3A_287 : memref<104xi32, #tpu.memory_space<hbm>>) target(%arg12 : memref<104xi32, #tpu.memory_space<vmem>>) target_semaphore(%run_scoped3A : memref<!tpu.dma_semaphore, #tpu.memory_space<semaphore_mem>>)
      %dma_wait3A_288 = tpu.memref_slice %arg4[%multiple_of3A_35] : memref<326144xi32, #tpu.memory_space<hbm>> -> memref<104xi32, #tpu.memory_space<hbm>>
      %dma_wait3A_289 = tpu.memref_slice %arg4[%multiple_of3A_35] : memref<326144xi32, #tpu.memory_space<hbm>> -> memref<104xi32, #tpu.memory_space<hbm>>
      tpu.wait_dma2 semaphore(%run_scoped3A : memref<!tpu.dma_semaphore, #tpu.memory_space<semaphore_mem>>) src(%dma_wait3A_289 : memref<104xi32, #tpu.memory_space<hbm>>) dst(%arg12 : memref<104xi32, #tpu.memory_space<vmem>>)
      tpu.yield
    }) : () -> ()
    %dma_start3A_36 = arith.constant 0 : i32
    %dma_start3A_37 = arith.constant 0 : i32
    %dma_start3A_38 = tpu.memref_slice %arg2[%dma_start3A_36, %dma_start3A_37] : memref<10000x128xf32, #tpu.memory_space<hbm>> -> memref<10000x128xf32, #tpu.memory_space<hbm>>
    tpu.enqueue_indirect_dma source(%dma_start3A_38 : memref<10000x128xf32, #tpu.memory_space<hbm>>) target(%arg14 : memref<104x128xf32, #tpu.memory_space<vmem>>) offsets(%arg10 : memref<104xi32, #tpu.memory_space<vmem>>) semaphore(%arg18 : memref<!tpu.dma_semaphore, #tpu.memory_space<semaphore_mem>>)
    %scan3A = arith.constant 0 : i32
    %scan3A_39 = arith.constant 0 : i32
    %scan3A_40 = arith.constant 49 : i32
    %scan3A_41 = arith.addi %scan3A_39, %scan3A_40 : i32
    %scan3A_42 = arith.constant 1 : i32
    scf.for %scan3A_286 = %scan3A_39 to %scan3A_41 step %scan3A_42  : i32 {
      %dma_wait3A_287 = arith.constant 0 : i32
      %dma_wait3A_288 = arith.constant 0 : i32
      %dma_wait3A_289 = tpu.memref_slice %arg2[%dma_wait3A_287, %dma_wait3A_288] : memref<10000x128xf32, #tpu.memory_space<hbm>> -> memref<10000x128xf32, #tpu.memory_space<hbm>>
      tpu.wait_indirect_dma semaphore(%arg17 : memref<!tpu.dma_semaphore, #tpu.memory_space<semaphore_mem>>) src(%dma_wait3A_289 : memref<10000x128xf32, #tpu.memory_space<hbm>>) dst(%arg13 : memref<104x128xf32, #tpu.memory_space<vmem>>)
      %dma_start3A_290 = arith.constant 0 : i32
      %dma_start3A_291 = arith.constant 0 : i32
      %dma_start3A_292 = tpu.memref_slice %arg16[%dma_start3A_290, %dma_start3A_291] : memref<11024x128xf32, #tpu.memory_space<vmem_shared>> -> memref<11024x128xf32, #tpu.memory_space<vmem_shared>>
      tpu.enqueue_indirect_dma source(%arg13 : memref<104x128xf32, #tpu.memory_space<vmem>>) target(%dma_start3A_292 : memref<11024x128xf32, #tpu.memory_space<vmem_shared>>) offsets(%arg11 : memref<104xi32, #tpu.memory_space<vmem>>) semaphore(%arg19 : memref<!tpu.dma_semaphore, #tpu.memory_space<semaphore_mem>>) {add = true}
      %dma_wait3A_293 = arith.constant 0 : i32
      %dma_wait3A_294 = arith.constant 0 : i32
      %dma_wait3A_295 = tpu.memref_slice %arg2[%dma_wait3A_293, %dma_wait3A_294] : memref<10000x128xf32, #tpu.memory_space<hbm>> -> memref<10000x128xf32, #tpu.memory_space<hbm>>
      tpu.wait_indirect_dma semaphore(%arg18 : memref<!tpu.dma_semaphore, #tpu.memory_space<semaphore_mem>>) src(%dma_wait3A_295 : memref<10000x128xf32, #tpu.memory_space<hbm>>) dst(%arg14 : memref<104x128xf32, #tpu.memory_space<vmem>>)
      %dma_start3A_296 = arith.constant 0 : i32
      %dma_start3A_297 = arith.constant 0 : i32
      %dma_start3A_298 = tpu.memref_slice %arg16[%dma_start3A_296, %dma_start3A_297] : memref<11024x128xf32, #tpu.memory_space<vmem_shared>> -> memref<11024x128xf32, #tpu.memory_space<vmem_shared>>
      tpu.enqueue_indirect_dma source(%arg14 : memref<104x128xf32, #tpu.memory_space<vmem>>) target(%dma_start3A_298 : memref<11024x128xf32, #tpu.memory_space<vmem_shared>>) offsets(%arg12 : memref<104xi32, #tpu.memory_space<vmem>>) semaphore(%arg20 : memref<!tpu.dma_semaphore, #tpu.memory_space<semaphore_mem>>) {add = true}
      %mul3A_299 = arith.constant 2 : i32
      %mul3A_300 = arith.muli %scan3A_286, %mul3A_299 : i32
      %add3A_301 = arith.constant 0 : i32
      %add3A_302 = arith.addi %mul3A_300, %add3A_301 : i32
      %dma_wait3A_303 = arith.constant 0 : i32
      %dma_wait3A_304 = arith.constant 0 : i32
      %dma_wait3A_305 = tpu.memref_slice %arg16[%dma_wait3A_303, %dma_wait3A_304] : memref<11024x128xf32, #tpu.memory_space<vmem_shared>> -> memref<11024x128xf32, #tpu.memory_space<vmem_shared>>
      tpu.wait_indirect_dma semaphore(%arg19 : memref<!tpu.dma_semaphore, #tpu.memory_space<semaphore_mem>>) src(%arg13 : memref<104x128xf32, #tpu.memory_space<vmem>>) dst(%dma_wait3A_305 : memref<11024x128xf32, #tpu.memory_space<vmem_shared>>)
      %add3A_306 = arith.constant 2 : i32
      %add3A_307 = arith.addi %add3A_302, %add3A_306 : i32
      %lt3A = arith.constant 98 : i32
      %lt3A_308 = arith.cmpi slt, %add3A_307, %lt3A : i32
      %convert_element_type3A_309 = arith.extui %lt3A_308 : i1 to i32
      %cond3A_310 = arith.constant 0 : i32
      %cond3A_311 = arith.cmpi ne, %convert_element_type3A_309, %cond3A_310 : i32
      scf.if %cond3A_311 {
        %add3A_326 = arith.constant 2 : i32
        %add3A_327 = arith.addi %add3A_302, %add3A_326 : i32
        %mul3A_328 = arith.constant 104 : i32
        %mul3A_329 = arith.muli %add3A_327, %mul3A_328 : i32
        %add3A_330 = arith.addi %mul3A_4, %mul3A_329 : i32
        %multiple_of3A_331 = tpu.assume_multiple %add3A_330, 8 : i32
        "tpu.region"() ({
          %run_scoped3A = tpu.sem_alloc : memref<!tpu.dma_semaphore, #tpu.memory_space<semaphore_mem>>
          %dma_start3A_341 = tpu.memref_slice %arg3[%multiple_of3A_331] : memref<326144xi32, #tpu.memory_space<hbm>> -> memref<104xi32, #tpu.memory_space<hbm>>
          %dma_start3A_342 = tpu.memref_slice %arg3[%multiple_of3A_331] : memref<326144xi32, #tpu.memory_space<hbm>> -> memref<104xi32, #tpu.memory_space<hbm>>
          tpu.enqueue_dma source(%dma_start3A_342 : memref<104xi32, #tpu.memory_space<hbm>>) target(%arg9 : memref<104xi32, #tpu.memory_space<vmem>>) target_semaphore(%run_scoped3A : memref<!tpu.dma_semaphore, #tpu.memory_space<semaphore_mem>>)
          %dma_wait3A_343 = tpu.memref_slice %arg3[%multiple_of3A_331] : memref<326144xi32, #tpu.memory_space<hbm>> -> memref<104xi32, #tpu.memory_space<hbm>>
          %dma_wait3A_344 = tpu.memref_slice %arg3[%multiple_of3A_331] : memref<326144xi32, #tpu.memory_space<hbm>> -> memref<104xi32, #tpu.memory_space<hbm>>
          tpu.wait_dma2 semaphore(%run_scoped3A : memref<!tpu.dma_semaphore, #tpu.memory_space<semaphore_mem>>) src(%dma_wait3A_344 : memref<104xi32, #tpu.memory_space<hbm>>) dst(%arg9 : memref<104xi32, #tpu.memory_space<vmem>>)
          tpu.yield
        }) : () -> ()
        %add3A_332 = arith.constant 2 : i32
        %add3A_333 = arith.addi %add3A_302, %add3A_332 : i32
        %mul3A_334 = arith.constant 104 : i32
        %mul3A_335 = arith.muli %add3A_333, %mul3A_334 : i32
        %add3A_336 = arith.addi %mul3A_4, %mul3A_335 : i32
        %multiple_of3A_337 = tpu.assume_multiple %add3A_336, 8 : i32
        "tpu.region"() ({
          %run_scoped3A = tpu.sem_alloc : memref<!tpu.dma_semaphore, #tpu.memory_space<semaphore_mem>>
          %dma_start3A_341 = tpu.memref_slice %arg4[%multiple_of3A_337] : memref<326144xi32, #tpu.memory_space<hbm>> -> memref<104xi32, #tpu.memory_space<hbm>>
          %dma_start3A_342 = tpu.memref_slice %arg4[%multiple_of3A_337] : memref<326144xi32, #tpu.memory_space<hbm>> -> memref<104xi32, #tpu.memory_space<hbm>>
          tpu.enqueue_dma source(%dma_start3A_342 : memref<104xi32, #tpu.memory_space<hbm>>) target(%arg11 : memref<104xi32, #tpu.memory_space<vmem>>) target_semaphore(%run_scoped3A : memref<!tpu.dma_semaphore, #tpu.memory_space<semaphore_mem>>)
          %dma_wait3A_343 = tpu.memref_slice %arg4[%multiple_of3A_337] : memref<326144xi32, #tpu.memory_space<hbm>> -> memref<104xi32, #tpu.memory_space<hbm>>
          %dma_wait3A_344 = tpu.memref_slice %arg4[%multiple_of3A_337] : memref<326144xi32, #tpu.memory_space<hbm>> -> memref<104xi32, #tpu.memory_space<hbm>>
          tpu.wait_dma2 semaphore(%run_scoped3A : memref<!tpu.dma_semaphore, #tpu.memory_space<semaphore_mem>>) src(%dma_wait3A_344 : memref<104xi32, #tpu.memory_space<hbm>>) dst(%arg11 : memref<104xi32, #tpu.memory_space<vmem>>)
          tpu.yield
        }) : () -> ()
        %dma_start3A_338 = arith.constant 0 : i32
        %dma_start3A_339 = arith.constant 0 : i32
        %dma_start3A_340 = tpu.memref_slice %arg2[%dma_start3A_338, %dma_start3A_339] : memref<10000x128xf32, #tpu.memory_space<hbm>> -> memref<10000x128xf32, #tpu.memory_space<hbm>>
        tpu.enqueue_indirect_dma source(%dma_start3A_340 : memref<10000x128xf32, #tpu.memory_space<hbm>>) target(%arg13 : memref<104x128xf32, #tpu.memory_space<vmem>>) offsets(%arg9 : memref<104xi32, #tpu.memory_space<vmem>>) semaphore(%arg17 : memref<!tpu.dma_semaphore, #tpu.memory_space<semaphore_mem>>)
      } else {
      }
      %mul3A_312 = arith.constant 2 : i32
      %mul3A_313 = arith.muli %scan3A_286, %mul3A_312 : i32
      %add3A_314 = arith.constant 1 : i32
      %add3A_315 = arith.addi %mul3A_313, %add3A_314 : i32
      %dma_wait3A_316 = arith.constant 0 : i32
      %dma_wait3A_317 = arith.constant 0 : i32
      %dma_wait3A_318 = tpu.memref_slice %arg16[%dma_wait3A_316, %dma_wait3A_317] : memref<11024x128xf32, #tpu.memory_space<vmem_shared>> -> memref<11024x128xf32, #tpu.memory_space<vmem_shared>>
      tpu.wait_indirect_dma semaphore(%arg20 : memref<!tpu.dma_semaphore, #tpu.memory_space<semaphore_mem>>) src(%arg14 : memref<104x128xf32, #tpu.memory_space<vmem>>) dst(%dma_wait3A_318 : memref<11024x128xf32, #tpu.memory_space<vmem_shared>>)
      %add3A_319 = arith.constant 2 : i32
      %add3A_320 = arith.addi %add3A_315, %add3A_319 : i32
      %lt3A_321 = arith.constant 98 : i32
      %lt3A_322 = arith.cmpi slt, %add3A_320, %lt3A_321 : i32
      %convert_element_type3A_323 = arith.extui %lt3A_322 : i1 to i32
      %cond3A_324 = arith.constant 0 : i32
      %cond3A_325 = arith.cmpi ne, %convert_element_type3A_323, %cond3A_324 : i32
      scf.if %cond3A_325 {
        %add3A_326 = arith.constant 2 : i32
        %add3A_327 = arith.addi %add3A_315, %add3A_326 : i32
        %mul3A_328 = arith.constant 104 : i32
        %mul3A_329 = arith.muli %add3A_327, %mul3A_328 : i32
        %add3A_330 = arith.addi %mul3A_4, %mul3A_329 : i32
        %multiple_of3A_331 = tpu.assume_multiple %add3A_330, 8 : i32
        "tpu.region"() ({
          %run_scoped3A = tpu.sem_alloc : memref<!tpu.dma_semaphore, #tpu.memory_space<semaphore_mem>>
          %dma_start3A_341 = tpu.memref_slice %arg3[%multiple_of3A_331] : memref<326144xi32, #tpu.memory_space<hbm>> -> memref<104xi32, #tpu.memory_space<hbm>>
          %dma_start3A_342 = tpu.memref_slice %arg3[%multiple_of3A_331] : memref<326144xi32, #tpu.memory_space<hbm>> -> memref<104xi32, #tpu.memory_space<hbm>>
          tpu.enqueue_dma source(%dma_start3A_342 : memref<104xi32, #tpu.memory_space<hbm>>) target(%arg10 : memref<104xi32, #tpu.memory_space<vmem>>) target_semaphore(%run_scoped3A : memref<!tpu.dma_semaphore, #tpu.memory_space<semaphore_mem>>)
          %dma_wait3A_343 = tpu.memref_slice %arg3[%multiple_of3A_331] : memref<326144xi32, #tpu.memory_space<hbm>> -> memref<104xi32, #tpu.memory_space<hbm>>
          %dma_wait3A_344 = tpu.memref_slice %arg3[%multiple_of3A_331] : memref<326144xi32, #tpu.memory_space<hbm>> -> memref<104xi32, #tpu.memory_space<hbm>>
          tpu.wait_dma2 semaphore(%run_scoped3A : memref<!tpu.dma_semaphore, #tpu.memory_space<semaphore_mem>>) src(%dma_wait3A_344 : memref<104xi32, #tpu.memory_space<hbm>>) dst(%arg10 : memref<104xi32, #tpu.memory_space<vmem>>)
          tpu.yield
        }) : () -> ()
        %add3A_332 = arith.constant 2 : i32
        %add3A_333 = arith.addi %add3A_315, %add3A_332 : i32
        %mul3A_334 = arith.constant 104 : i32
        %mul3A_335 = arith.muli %add3A_333, %mul3A_334 : i32
        %add3A_336 = arith.addi %mul3A_4, %mul3A_335 : i32
        %multiple_of3A_337 = tpu.assume_multiple %add3A_336, 8 : i32
        "tpu.region"() ({
          %run_scoped3A = tpu.sem_alloc : memref<!tpu.dma_semaphore, #tpu.memory_space<semaphore_mem>>
          %dma_start3A_341 = tpu.memref_slice %arg4[%multiple_of3A_337] : memref<326144xi32, #tpu.memory_space<hbm>> -> memref<104xi32, #tpu.memory_space<hbm>>
          %dma_start3A_342 = tpu.memref_slice %arg4[%multiple_of3A_337] : memref<326144xi32, #tpu.memory_space<hbm>> -> memref<104xi32, #tpu.memory_space<hbm>>
          tpu.enqueue_dma source(%dma_start3A_342 : memref<104xi32, #tpu.memory_space<hbm>>) target(%arg12 : memref<104xi32, #tpu.memory_space<vmem>>) target_semaphore(%run_scoped3A : memref<!tpu.dma_semaphore, #tpu.memory_space<semaphore_mem>>)
          %dma_wait3A_343 = tpu.memref_slice %arg4[%multiple_of3A_337] : memref<326144xi32, #tpu.memory_space<hbm>> -> memref<104xi32, #tpu.memory_space<hbm>>
          %dma_wait3A_344 = tpu.memref_slice %arg4[%multiple_of3A_337] : memref<326144xi32, #tpu.memory_space<hbm>> -> memref<104xi32, #tpu.memory_space<hbm>>
          tpu.wait_dma2 semaphore(%run_scoped3A : memref<!tpu.dma_semaphore, #tpu.memory_space<semaphore_mem>>) src(%dma_wait3A_344 : memref<104xi32, #tpu.memory_space<hbm>>) dst(%arg12 : memref<104xi32, #tpu.memory_space<vmem>>)
          tpu.yield
        }) : () -> ()
        %dma_start3A_338 = arith.constant 0 : i32
        %dma_start3A_339 = arith.constant 0 : i32
        %dma_start3A_340 = tpu.memref_slice %arg2[%dma_start3A_338, %dma_start3A_339] : memref<10000x128xf32, #tpu.memory_space<hbm>> -> memref<10000x128xf32, #tpu.memory_space<hbm>>
        tpu.enqueue_indirect_dma source(%dma_start3A_340 : memref<10000x128xf32, #tpu.memory_space<hbm>>) target(%arg14 : memref<104x128xf32, #tpu.memory_space<vmem>>) offsets(%arg10 : memref<104xi32, #tpu.memory_space<vmem>>) semaphore(%arg18 : memref<!tpu.dma_semaphore, #tpu.memory_space<semaphore_mem>>)
      } else {
      }
    }
    %scan3A_43 = arith.constant 49 : i32
    %barrier3A_44 = arith.constant 0 : index
    tpu.barrier barrier_id(%barrier3A_44)
    %add3A_45 = arith.constant 0 : i32
    %add3A_46 = arith.addi %mul3A_2, %add3A_45 : i32
    "tpu.region"() ({
      %run_scoped3A = tpu.sem_alloc : memref<!tpu.dma_semaphore, #tpu.memory_space<semaphore_mem>>
      %dma_start3A_286 = arith.constant 0 : i32
      %dma_start3A_287 = tpu.memref_slice %arg16[%add3A_46, %dma_start3A_286] : memref<11024x128xf32, #tpu.memory_space<vmem_shared>> -> memref<104x128xf32, #tpu.memory_space<vmem_shared>>
      %dma_start3A_288 = arith.constant 0 : i32
      %dma_start3A_289 = tpu.memref_slice %arg16[%add3A_46, %dma_start3A_288] : memref<11024x128xf32, #tpu.memory_space<vmem_shared>> -> memref<104x128xf32, #tpu.memory_space<vmem_shared>>
      tpu.enqueue_dma source(%dma_start3A_289 : memref<104x128xf32, #tpu.memory_space<vmem_shared>>) target(%arg13 : memref<104x128xf32, #tpu.memory_space<vmem>>) target_semaphore(%run_scoped3A : memref<!tpu.dma_semaphore, #tpu.memory_space<semaphore_mem>>)
      %dma_wait3A_290 = arith.constant 0 : i32
      %dma_wait3A_291 = tpu.memref_slice %arg16[%add3A_46, %dma_wait3A_290] : memref<11024x128xf32, #tpu.memory_space<vmem_shared>> -> memref<104x128xf32, #tpu.memory_space<vmem_shared>>
      %dma_wait3A_292 = arith.constant 0 : i32
      %dma_wait3A_293 = tpu.memref_slice %arg16[%add3A_46, %dma_wait3A_292] : memref<11024x128xf32, #tpu.memory_space<vmem_shared>> -> memref<104x128xf32, #tpu.memory_space<vmem_shared>>
      tpu.wait_dma2 semaphore(%run_scoped3A : memref<!tpu.dma_semaphore, #tpu.memory_space<semaphore_mem>>) src(%dma_wait3A_293 : memref<104x128xf32, #tpu.memory_space<vmem_shared>>) dst(%arg13 : memref<104x128xf32, #tpu.memory_space<vmem>>)
      tpu.yield
    }) : () -> ()
    %dma_start3A_47 = arith.constant 0 : i32
    %dma_start3A_48 = tpu.memref_slice %arg7[%arg0, %add3A_46, %dma_start3A_47] : memref<2x10000x128xf32, #tpu.memory_space<hbm>> -> memref<1x104x128xf32, #tpu.memory_space<hbm>>
    %dma_start3A_49 = tpu.memref_squeeze %dma_start3A_48 : memref<1x104x128xf32, #tpu.memory_space<hbm>> -> memref<104x128xf32, #tpu.memory_space<hbm>>
    %dma_start3A_50 = arith.constant 0 : i32
    %dma_start3A_51 = tpu.memref_slice %arg7[%arg0, %add3A_46, %dma_start3A_50] : memref<2x10000x128xf32, #tpu.memory_space<hbm>> -> memref<1x104x128xf32, #tpu.memory_space<hbm>>
    %dma_start3A_52 = tpu.memref_squeeze %dma_start3A_51 : memref<1x104x128xf32, #tpu.memory_space<hbm>> -> memref<104x128xf32, #tpu.memory_space<hbm>>
    tpu.enqueue_dma source(%arg13 : memref<104x128xf32, #tpu.memory_space<vmem>>) target(%dma_start3A_52 : memref<104x128xf32, #tpu.memory_space<hbm>>) target_semaphore(%arg19 : memref<!tpu.dma_semaphore, #tpu.memory_space<semaphore_mem>>)
    %add3A_53 = arith.constant 104 : i32
    %add3A_54 = arith.addi %mul3A_2, %add3A_53 : i32
    "tpu.region"() ({
      %run_scoped3A = tpu.sem_alloc : memref<!tpu.dma_semaphore, #tpu.memory_space<semaphore_mem>>
      %dma_start3A_286 = arith.constant 0 : i32
      %dma_start3A_287 = tpu.memref_slice %arg16[%add3A_54, %dma_start3A_286] : memref<11024x128xf32, #tpu.memory_space<vmem_shared>> -> memref<104x128xf32, #tpu.memory_space<vmem_shared>>
      %dma_start3A_288 = arith.constant 0 : i32
      %dma_start3A_289 = tpu.memref_slice %arg16[%add3A_54, %dma_start3A_288] : memref<11024x128xf32, #tpu.memory_space<vmem_shared>> -> memref<104x128xf32, #tpu.memory_space<vmem_shared>>
      tpu.enqueue_dma source(%dma_start3A_289 : memref<104x128xf32, #tpu.memory_space<vmem_shared>>) target(%arg14 : memref<104x128xf32, #tpu.memory_space<vmem>>) target_semaphore(%run_scoped3A : memref<!tpu.dma_semaphore, #tpu.memory_space<semaphore_mem>>)
      %dma_wait3A_290 = arith.constant 0 : i32
      %dma_wait3A_291 = tpu.memref_slice %arg16[%add3A_54, %dma_wait3A_290] : memref<11024x128xf32, #tpu.memory_space<vmem_shared>> -> memref<104x128xf32, #tpu.memory_space<vmem_shared>>
      %dma_wait3A_292 = arith.constant 0 : i32
      %dma_wait3A_293 = tpu.memref_slice %arg16[%add3A_54, %dma_wait3A_292] : memref<11024x128xf32, #tpu.memory_space<vmem_shared>> -> memref<104x128xf32, #tpu.memory_space<vmem_shared>>
      tpu.wait_dma2 semaphore(%run_scoped3A : memref<!tpu.dma_semaphore, #tpu.memory_space<semaphore_mem>>) src(%dma_wait3A_293 : memref<104x128xf32, #tpu.memory_space<vmem_shared>>) dst(%arg14 : memref<104x128xf32, #tpu.memory_space<vmem>>)
      tpu.yield
    }) : () -> ()
    %dma_start3A_55 = arith.constant 0 : i32
    %dma_start3A_56 = tpu.memref_slice %arg7[%arg0, %add3A_54, %dma_start3A_55] : memref<2x10000x128xf32, #tpu.memory_space<hbm>> -> memref<1x104x128xf32, #tpu.memory_space<hbm>>
    %dma_start3A_57 = tpu.memref_squeeze %dma_start3A_56 : memref<1x104x128xf32, #tpu.memory_space<hbm>> -> memref<104x128xf32, #tpu.memory_space<hbm>>
    %dma_start3A_58 = arith.constant 0 : i32
    %dma_start3A_59 = tpu.memref_slice %arg7[%arg0, %add3A_54, %dma_start3A_58] : memref<2x10000x128xf32, #tpu.memory_space<hbm>> -> memref<1x104x128xf32, #tpu.memory_space<hbm>>
    %dma_start3A_60 = tpu.memref_squeeze %dma_start3A_59 : memref<1x104x128xf32, #tpu.memory_space<hbm>> -> memref<104x128xf32, #tpu.memory_space<hbm>>
    tpu.enqueue_dma source(%arg14 : memref<104x128xf32, #tpu.memory_space<vmem>>) target(%dma_start3A_60 : memref<104x128xf32, #tpu.memory_space<hbm>>) target_semaphore(%arg20 : memref<!tpu.dma_semaphore, #tpu.memory_space<semaphore_mem>>)
    %add3A_61 = arith.constant 208 : i32
    %add3A_62 = arith.addi %mul3A_2, %add3A_61 : i32
    %add3A_63 = arith.constant 0 : i32
    %add3A_64 = arith.addi %mul3A_2, %add3A_63 : i32
    %dma_wait3A = arith.constant 0 : i32
    %dma_wait3A_65 = tpu.memref_slice %arg7[%arg0, %add3A_64, %dma_wait3A] : memref<2x10000x128xf32, #tpu.memory_space<hbm>> -> memref<1x104x128xf32, #tpu.memory_space<hbm>>
    %dma_wait3A_66 = tpu.memref_squeeze %dma_wait3A_65 : memref<1x104x128xf32, #tpu.memory_space<hbm>> -> memref<104x128xf32, #tpu.memory_space<hbm>>
    %dma_wait3A_67 = arith.constant 0 : i32
    %dma_wait3A_68 = tpu.memref_slice %arg7[%arg0, %add3A_64, %dma_wait3A_67] : memref<2x10000x128xf32, #tpu.memory_space<hbm>> -> memref<1x104x128xf32, #tpu.memory_space<hbm>>
    %dma_wait3A_69 = tpu.memref_squeeze %dma_wait3A_68 : memref<1x104x128xf32, #tpu.memory_space<hbm>> -> memref<104x128xf32, #tpu.memory_space<hbm>>
    tpu.wait_dma2 semaphore(%arg19 : memref<!tpu.dma_semaphore, #tpu.memory_space<semaphore_mem>>) src(%arg13 : memref<104x128xf32, #tpu.memory_space<vmem>>) dst(%dma_wait3A_69 : memref<104x128xf32, #tpu.memory_space<hbm>>)
    "tpu.region"() ({
      %run_scoped3A = tpu.sem_alloc : memref<!tpu.dma_semaphore, #tpu.memory_space<semaphore_mem>>
      %dma_start3A_286 = arith.constant 0 : i32
      %dma_start3A_287 = tpu.memref_slice %arg16[%add3A_62, %dma_start3A_286] : memref<11024x128xf32, #tpu.memory_space<vmem_shared>> -> memref<104x128xf32, #tpu.memory_space<vmem_shared>>
      %dma_start3A_288 = arith.constant 0 : i32
      %dma_start3A_289 = tpu.memref_slice %arg16[%add3A_62, %dma_start3A_288] : memref<11024x128xf32, #tpu.memory_space<vmem_shared>> -> memref<104x128xf32, #tpu.memory_space<vmem_shared>>
      tpu.enqueue_dma source(%dma_start3A_289 : memref<104x128xf32, #tpu.memory_space<vmem_shared>>) target(%arg13 : memref<104x128xf32, #tpu.memory_space<vmem>>) target_semaphore(%run_scoped3A : memref<!tpu.dma_semaphore, #tpu.memory_space<semaphore_mem>>)
      %dma_wait3A_290 = arith.constant 0 : i32
      %dma_wait3A_291 = tpu.memref_slice %arg16[%add3A_62, %dma_wait3A_290] : memref<11024x128xf32, #tpu.memory_space<vmem_shared>> -> memref<104x128xf32, #tpu.memory_space<vmem_shared>>
      %dma_wait3A_292 = arith.constant 0 : i32
      %dma_wait3A_293 = tpu.memref_slice %arg16[%add3A_62, %dma_wait3A_292] : memref<11024x128xf32, #tpu.memory_space<vmem_shared>> -> memref<104x128xf32, #tpu.memory_space<vmem_shared>>
      tpu.wait_dma2 semaphore(%run_scoped3A : memref<!tpu.dma_semaphore, #tpu.memory_space<semaphore_mem>>) src(%dma_wait3A_293 : memref<104x128xf32, #tpu.memory_space<vmem_shared>>) dst(%arg13 : memref<104x128xf32, #tpu.memory_space<vmem>>)
      tpu.yield
    }) : () -> ()
    %dma_start3A_70 = arith.constant 0 : i32
    %dma_start3A_71 = tpu.memref_slice %arg7[%arg0, %add3A_62, %dma_start3A_70] : memref<2x10000x128xf32, #tpu.memory_space<hbm>> -> memref<1x104x128xf32, #tpu.memory_space<hbm>>
    %dma_start3A_72 = tpu.memref_squeeze %dma_start3A_71 : memref<1x104x128xf32, #tpu.memory_space<hbm>> -> memref<104x128xf32, #tpu.memory_space<hbm>>
    %dma_start3A_73 = arith.constant 0 : i32
    %dma_start3A_74 = tpu.memref_slice %arg7[%arg0, %add3A_62, %dma_start3A_73] : memref<2x10000x128xf32, #tpu.memory_space<hbm>> -> memref<1x104x128xf32, #tpu.memory_space<hbm>>
    %dma_start3A_75 = tpu.memref_squeeze %dma_start3A_74 : memref<1x104x128xf32, #tpu.memory_space<hbm>> -> memref<104x128xf32, #tpu.memory_space<hbm>>
    tpu.enqueue_dma source(%arg13 : memref<104x128xf32, #tpu.memory_space<vmem>>) target(%dma_start3A_75 : memref<104x128xf32, #tpu.memory_space<hbm>>) target_semaphore(%arg19 : memref<!tpu.dma_semaphore, #tpu.memory_space<semaphore_mem>>)
    %add3A_76 = arith.constant 312 : i32
    %add3A_77 = arith.addi %mul3A_2, %add3A_76 : i32
    %add3A_78 = arith.constant 104 : i32
    %add3A_79 = arith.addi %mul3A_2, %add3A_78 : i32
    %dma_wait3A_80 = arith.constant 0 : i32
    %dma_wait3A_81 = tpu.memref_slice %arg7[%arg0, %add3A_79, %dma_wait3A_80] : memref<2x10000x128xf32, #tpu.memory_space<hbm>> -> memref<1x104x128xf32, #tpu.memory_space<hbm>>
    %dma_wait3A_82 = tpu.memref_squeeze %dma_wait3A_81 : memref<1x104x128xf32, #tpu.memory_space<hbm>> -> memref<104x128xf32, #tpu.memory_space<hbm>>
    %dma_wait3A_83 = arith.constant 0 : i32
    %dma_wait3A_84 = tpu.memref_slice %arg7[%arg0, %add3A_79, %dma_wait3A_83] : memref<2x10000x128xf32, #tpu.memory_space<hbm>> -> memref<1x104x128xf32, #tpu.memory_space<hbm>>
    %dma_wait3A_85 = tpu.memref_squeeze %dma_wait3A_84 : memref<1x104x128xf32, #tpu.memory_space<hbm>> -> memref<104x128xf32, #tpu.memory_space<hbm>>
    tpu.wait_dma2 semaphore(%arg20 : memref<!tpu.dma_semaphore, #tpu.memory_space<semaphore_mem>>) src(%arg14 : memref<104x128xf32, #tpu.memory_space<vmem>>) dst(%dma_wait3A_85 : memref<104x128xf32, #tpu.memory_space<hbm>>)
    "tpu.region"() ({
      %run_scoped3A = tpu.sem_alloc : memref<!tpu.dma_semaphore, #tpu.memory_space<semaphore_mem>>
      %dma_start3A_286 = arith.constant 0 : i32
      %dma_start3A_287 = tpu.memref_slice %arg16[%add3A_77, %dma_start3A_286] : memref<11024x128xf32, #tpu.memory_space<vmem_shared>> -> memref<104x128xf32, #tpu.memory_space<vmem_shared>>
      %dma_start3A_288 = arith.constant 0 : i32
      %dma_start3A_289 = tpu.memref_slice %arg16[%add3A_77, %dma_start3A_288] : memref<11024x128xf32, #tpu.memory_space<vmem_shared>> -> memref<104x128xf32, #tpu.memory_space<vmem_shared>>
      tpu.enqueue_dma source(%dma_start3A_289 : memref<104x128xf32, #tpu.memory_space<vmem_shared>>) target(%arg14 : memref<104x128xf32, #tpu.memory_space<vmem>>) target_semaphore(%run_scoped3A : memref<!tpu.dma_semaphore, #tpu.memory_space<semaphore_mem>>)
      %dma_wait3A_290 = arith.constant 0 : i32
      %dma_wait3A_291 = tpu.memref_slice %arg16[%add3A_77, %dma_wait3A_290] : memref<11024x128xf32, #tpu.memory_space<vmem_shared>> -> memref<104x128xf32, #tpu.memory_space<vmem_shared>>
      %dma_wait3A_292 = arith.constant 0 : i32
      %dma_wait3A_293 = tpu.memref_slice %arg16[%add3A_77, %dma_wait3A_292] : memref<11024x128xf32, #tpu.memory_space<vmem_shared>> -> memref<104x128xf32, #tpu.memory_space<vmem_shared>>
      tpu.wait_dma2 semaphore(%run_scoped3A : memref<!tpu.dma_semaphore, #tpu.memory_space<semaphore_mem>>) src(%dma_wait3A_293 : memref<104x128xf32, #tpu.memory_space<vmem_shared>>) dst(%arg14 : memref<104x128xf32, #tpu.memory_space<vmem>>)
      tpu.yield
    }) : () -> ()
    %dma_start3A_86 = arith.constant 0 : i32
    %dma_start3A_87 = tpu.memref_slice %arg7[%arg0, %add3A_77, %dma_start3A_86] : memref<2x10000x128xf32, #tpu.memory_space<hbm>> -> memref<1x104x128xf32, #tpu.memory_space<hbm>>
    %dma_start3A_88 = tpu.memref_squeeze %dma_start3A_87 : memref<1x104x128xf32, #tpu.memory_space<hbm>> -> memref<104x128xf32, #tpu.memory_space<hbm>>
    %dma_start3A_89 = arith.constant 0 : i32
    %dma_start3A_90 = tpu.memref_slice %arg7[%arg0, %add3A_77, %dma_start3A_89] : memref<2x10000x128xf32, #tpu.memory_space<hbm>> -> memref<1x104x128xf32, #tpu.memory_space<hbm>>
    %dma_start3A_91 = tpu.memref_squeeze %dma_start3A_90 : memref<1x104x128xf32, #tpu.memory_space<hbm>> -> memref<104x128xf32, #tpu.memory_space<hbm>>
    tpu.enqueue_dma source(%arg14 : memref<104x128xf32, #tpu.memory_space<vmem>>) target(%dma_start3A_91 : memref<104x128xf32, #tpu.memory_space<hbm>>) target_semaphore(%arg20 : memref<!tpu.dma_semaphore, #tpu.memory_space<semaphore_mem>>)
    %add3A_92 = arith.constant 416 : i32
    %add3A_93 = arith.addi %mul3A_2, %add3A_92 : i32
    %add3A_94 = arith.constant 208 : i32
    %add3A_95 = arith.addi %mul3A_2, %add3A_94 : i32
    %dma_wait3A_96 = arith.constant 0 : i32
    %dma_wait3A_97 = tpu.memref_slice %arg7[%arg0, %add3A_95, %dma_wait3A_96] : memref<2x10000x128xf32, #tpu.memory_space<hbm>> -> memref<1x104x128xf32, #tpu.memory_space<hbm>>
    %dma_wait3A_98 = tpu.memref_squeeze %dma_wait3A_97 : memref<1x104x128xf32, #tpu.memory_space<hbm>> -> memref<104x128xf32, #tpu.memory_space<hbm>>
    %dma_wait3A_99 = arith.constant 0 : i32
    %dma_wait3A_100 = tpu.memref_slice %arg7[%arg0, %add3A_95, %dma_wait3A_99] : memref<2x10000x128xf32, #tpu.memory_space<hbm>> -> memref<1x104x128xf32, #tpu.memory_space<hbm>>
    %dma_wait3A_101 = tpu.memref_squeeze %dma_wait3A_100 : memref<1x104x128xf32, #tpu.memory_space<hbm>> -> memref<104x128xf32, #tpu.memory_space<hbm>>
    tpu.wait_dma2 semaphore(%arg19 : memref<!tpu.dma_semaphore, #tpu.memory_space<semaphore_mem>>) src(%arg13 : memref<104x128xf32, #tpu.memory_space<vmem>>) dst(%dma_wait3A_101 : memref<104x128xf32, #tpu.memory_space<hbm>>)
    "tpu.region"() ({
      %run_scoped3A = tpu.sem_alloc : memref<!tpu.dma_semaphore, #tpu.memory_space<semaphore_mem>>
      %dma_start3A_286 = arith.constant 0 : i32
      %dma_start3A_287 = tpu.memref_slice %arg16[%add3A_93, %dma_start3A_286] : memref<11024x128xf32, #tpu.memory_space<vmem_shared>> -> memref<104x128xf32, #tpu.memory_space<vmem_shared>>
      %dma_start3A_288 = arith.constant 0 : i32
      %dma_start3A_289 = tpu.memref_slice %arg16[%add3A_93, %dma_start3A_288] : memref<11024x128xf32, #tpu.memory_space<vmem_shared>> -> memref<104x128xf32, #tpu.memory_space<vmem_shared>>
      tpu.enqueue_dma source(%dma_start3A_289 : memref<104x128xf32, #tpu.memory_space<vmem_shared>>) target(%arg13 : memref<104x128xf32, #tpu.memory_space<vmem>>) target_semaphore(%run_scoped3A : memref<!tpu.dma_semaphore, #tpu.memory_space<semaphore_mem>>)
      %dma_wait3A_290 = arith.constant 0 : i32
      %dma_wait3A_291 = tpu.memref_slice %arg16[%add3A_93, %dma_wait3A_290] : memref<11024x128xf32, #tpu.memory_space<vmem_shared>> -> memref<104x128xf32, #tpu.memory_space<vmem_shared>>
      %dma_wait3A_292 = arith.constant 0 : i32
      %dma_wait3A_293 = tpu.memref_slice %arg16[%add3A_93, %dma_wait3A_292] : memref<11024x128xf32, #tpu.memory_space<vmem_shared>> -> memref<104x128xf32, #tpu.memory_space<vmem_shared>>
      tpu.wait_dma2 semaphore(%run_scoped3A : memref<!tpu.dma_semaphore, #tpu.memory_space<semaphore_mem>>) src(%dma_wait3A_293 : memref<104x128xf32, #tpu.memory_space<vmem_shared>>) dst(%arg13 : memref<104x128xf32, #tpu.memory_space<vmem>>)
      tpu.yield
    }) : () -> ()
    %dma_start3A_102 = arith.constant 0 : i32
    %dma_start3A_103 = tpu.memref_slice %arg7[%arg0, %add3A_93, %dma_start3A_102] : memref<2x10000x128xf32, #tpu.memory_space<hbm>> -> memref<1x104x128xf32, #tpu.memory_space<hbm>>
    %dma_start3A_104 = tpu.memref_squeeze %dma_start3A_103 : memref<1x104x128xf32, #tpu.memory_space<hbm>> -> memref<104x128xf32, #tpu.memory_space<hbm>>
    %dma_start3A_105 = arith.constant 0 : i32
    %dma_start3A_106 = tpu.memref_slice %arg7[%arg0, %add3A_93, %dma_start3A_105] : memref<2x10000x128xf32, #tpu.memory_space<hbm>> -> memref<1x104x128xf32, #tpu.memory_space<hbm>>
    %dma_start3A_107 = tpu.memref_squeeze %dma_start3A_106 : memref<1x104x128xf32, #tpu.memory_space<hbm>> -> memref<104x128xf32, #tpu.memory_space<hbm>>
    tpu.enqueue_dma source(%arg13 : memref<104x128xf32, #tpu.memory_space<vmem>>) target(%dma_start3A_107 : memref<104x128xf32, #tpu.memory_space<hbm>>) target_semaphore(%arg19 : memref<!tpu.dma_semaphore, #tpu.memory_space<semaphore_mem>>)
    %add3A_108 = arith.constant 520 : i32
    %add3A_109 = arith.addi %mul3A_2, %add3A_108 : i32
    %add3A_110 = arith.constant 312 : i32
    %add3A_111 = arith.addi %mul3A_2, %add3A_110 : i32
    %dma_wait3A_112 = arith.constant 0 : i32
    %dma_wait3A_113 = tpu.memref_slice %arg7[%arg0, %add3A_111, %dma_wait3A_112] : memref<2x10000x128xf32, #tpu.memory_space<hbm>> -> memref<1x104x128xf32, #tpu.memory_space<hbm>>
    %dma_wait3A_114 = tpu.memref_squeeze %dma_wait3A_113 : memref<1x104x128xf32, #tpu.memory_space<hbm>> -> memref<104x128xf32, #tpu.memory_space<hbm>>
    %dma_wait3A_115 = arith.constant 0 : i32
    %dma_wait3A_116 = tpu.memref_slice %arg7[%arg0, %add3A_111, %dma_wait3A_115] : memref<2x10000x128xf32, #tpu.memory_space<hbm>> -> memref<1x104x128xf32, #tpu.memory_space<hbm>>
    %dma_wait3A_117 = tpu.memref_squeeze %dma_wait3A_116 : memref<1x104x128xf32, #tpu.memory_space<hbm>> -> memref<104x128xf32, #tpu.memory_space<hbm>>
    tpu.wait_dma2 semaphore(%arg20 : memref<!tpu.dma_semaphore, #tpu.memory_space<semaphore_mem>>) src(%arg14 : memref<104x128xf32, #tpu.memory_space<vmem>>) dst(%dma_wait3A_117 : memref<104x128xf32, #tpu.memory_space<hbm>>)
    "tpu.region"() ({
      %run_scoped3A = tpu.sem_alloc : memref<!tpu.dma_semaphore, #tpu.memory_space<semaphore_mem>>
      %dma_start3A_286 = arith.constant 0 : i32
      %dma_start3A_287 = tpu.memref_slice %arg16[%add3A_109, %dma_start3A_286] : memref<11024x128xf32, #tpu.memory_space<vmem_shared>> -> memref<104x128xf32, #tpu.memory_space<vmem_shared>>
      %dma_start3A_288 = arith.constant 0 : i32
      %dma_start3A_289 = tpu.memref_slice %arg16[%add3A_109, %dma_start3A_288] : memref<11024x128xf32, #tpu.memory_space<vmem_shared>> -> memref<104x128xf32, #tpu.memory_space<vmem_shared>>
      tpu.enqueue_dma source(%dma_start3A_289 : memref<104x128xf32, #tpu.memory_space<vmem_shared>>) target(%arg14 : memref<104x128xf32, #tpu.memory_space<vmem>>) target_semaphore(%run_scoped3A : memref<!tpu.dma_semaphore, #tpu.memory_space<semaphore_mem>>)
      %dma_wait3A_290 = arith.constant 0 : i32
      %dma_wait3A_291 = tpu.memref_slice %arg16[%add3A_109, %dma_wait3A_290] : memref<11024x128xf32, #tpu.memory_space<vmem_shared>> -> memref<104x128xf32, #tpu.memory_space<vmem_shared>>
      %dma_wait3A_292 = arith.constant 0 : i32
      %dma_wait3A_293 = tpu.memref_slice %arg16[%add3A_109, %dma_wait3A_292] : memref<11024x128xf32, #tpu.memory_space<vmem_shared>> -> memref<104x128xf32, #tpu.memory_space<vmem_shared>>
      tpu.wait_dma2 semaphore(%run_scoped3A : memref<!tpu.dma_semaphore, #tpu.memory_space<semaphore_mem>>) src(%dma_wait3A_293 : memref<104x128xf32, #tpu.memory_space<vmem_shared>>) dst(%arg14 : memref<104x128xf32, #tpu.memory_space<vmem>>)
      tpu.yield
    }) : () -> ()
    %dma_start3A_118 = arith.constant 0 : i32
    %dma_start3A_119 = tpu.memref_slice %arg7[%arg0, %add3A_109, %dma_start3A_118] : memref<2x10000x128xf32, #tpu.memory_space<hbm>> -> memref<1x104x128xf32, #tpu.memory_space<hbm>>
    %dma_start3A_120 = tpu.memref_squeeze %dma_start3A_119 : memref<1x104x128xf32, #tpu.memory_space<hbm>> -> memref<104x128xf32, #tpu.memory_space<hbm>>
    %dma_start3A_121 = arith.constant 0 : i32
    %dma_start3A_122 = tpu.memref_slice %arg7[%arg0, %add3A_109, %dma_start3A_121] : memref<2x10000x128xf32, #tpu.memory_space<hbm>> -> memref<1x104x128xf32, #tpu.memory_space<hbm>>
    %dma_start3A_123 = tpu.memref_squeeze %dma_start3A_122 : memref<1x104x128xf32, #tpu.memory_space<hbm>> -> memref<104x128xf32, #tpu.memory_space<hbm>>
    tpu.enqueue_dma source(%arg14 : memref<104x128xf32, #tpu.memory_space<vmem>>) target(%dma_start3A_123 : memref<104x128xf32, #tpu.memory_space<hbm>>) target_semaphore(%arg20 : memref<!tpu.dma_semaphore, #tpu.memory_space<semaphore_mem>>)
    %add3A_124 = arith.constant 416 : i32
    %add3A_125 = arith.addi %mul3A_2, %add3A_124 : i32
    %dma_wait3A_126 = arith.constant 0 : i32
    %dma_wait3A_127 = tpu.memref_slice %arg7[%arg0, %add3A_125, %dma_wait3A_126] : memref<2x10000x128xf32, #tpu.memory_space<hbm>> -> memref<1x104x128xf32, #tpu.memory_space<hbm>>
    %dma_wait3A_128 = tpu.memref_squeeze %dma_wait3A_127 : memref<1x104x128xf32, #tpu.memory_space<hbm>> -> memref<104x128xf32, #tpu.memory_space<hbm>>
    %dma_wait3A_129 = arith.constant 0 : i32
    %dma_wait3A_130 = tpu.memref_slice %arg7[%arg0, %add3A_125, %dma_wait3A_129] : memref<2x10000x128xf32, #tpu.memory_space<hbm>> -> memref<1x104x128xf32, #tpu.memory_space<hbm>>
    %dma_wait3A_131 = tpu.memref_squeeze %dma_wait3A_130 : memref<1x104x128xf32, #tpu.memory_space<hbm>> -> memref<104x128xf32, #tpu.memory_space<hbm>>
    tpu.wait_dma2 semaphore(%arg19 : memref<!tpu.dma_semaphore, #tpu.memory_space<semaphore_mem>>) src(%arg13 : memref<104x128xf32, #tpu.memory_space<vmem>>) dst(%dma_wait3A_131 : memref<104x128xf32, #tpu.memory_space<hbm>>)
    %add3A_132 = arith.constant 520 : i32
    %add3A_133 = arith.addi %mul3A_2, %add3A_132 : i32
    %dma_wait3A_134 = arith.constant 0 : i32
    %dma_wait3A_135 = tpu.memref_slice %arg7[%arg0, %add3A_133, %dma_wait3A_134] : memref<2x10000x128xf32, #tpu.memory_space<hbm>> -> memref<1x104x128xf32, #tpu.memory_space<hbm>>
    %dma_wait3A_136 = tpu.memref_squeeze %dma_wait3A_135 : memref<1x104x128xf32, #tpu.memory_space<hbm>> -> memref<104x128xf32, #tpu.memory_space<hbm>>
    %dma_wait3A_137 = arith.constant 0 : i32
    %dma_wait3A_138 = tpu.memref_slice %arg7[%arg0, %add3A_133, %dma_wait3A_137] : memref<2x10000x128xf32, #tpu.memory_space<hbm>> -> memref<1x104x128xf32, #tpu.memory_space<hbm>>
    %dma_wait3A_139 = tpu.memref_squeeze %dma_wait3A_138 : memref<1x104x128xf32, #tpu.memory_space<hbm>> -> memref<104x128xf32, #tpu.memory_space<hbm>>
    tpu.wait_dma2 semaphore(%arg20 : memref<!tpu.dma_semaphore, #tpu.memory_space<semaphore_mem>>) src(%arg14 : memref<104x128xf32, #tpu.memory_space<vmem>>) dst(%dma_wait3A_139 : memref<104x128xf32, #tpu.memory_space<hbm>>)
    %eq3A_140 = arith.constant 0 : i32
    %eq3A_141 = arith.cmpi eq, %arg1, %eq3A_140 : i32
    %convert_element_type3A_142 = arith.extui %eq3A_141 : i1 to i32
    %cond3A_143 = arith.constant 0 : i32
    %cond3A_144 = arith.cmpi ne, %convert_element_type3A_142, %cond3A_143 : i32
    scf.if %cond3A_144 {
      "tpu.region"() ({
        %run_scoped3A = tpu.sem_alloc : memref<!tpu.dma_semaphore, #tpu.memory_space<semaphore_mem>>
        %dma_start3A_286 = arith.constant 0 : i32
        %dma_start3A_287 = arith.constant 0 : i32
        %dma_start3A_288 = tpu.memref_slice %arg13[%dma_start3A_286, %dma_start3A_287] : memref<104x128xf32, #tpu.memory_space<vmem>> -> memref<16x128xf32, #tpu.memory_space<vmem>>
        %dma_start3A_289 = arith.constant 9984 : i32
        %dma_start3A_290 = arith.constant 0 : i32
        %dma_start3A_291 = tpu.memref_slice %arg16[%dma_start3A_289, %dma_start3A_290] : memref<11024x128xf32, #tpu.memory_space<vmem_shared>> -> memref<16x128xf32, #tpu.memory_space<vmem_shared>>
        %dma_start3A_292 = arith.constant 0 : i32
        %dma_start3A_293 = arith.constant 0 : i32
        %dma_start3A_294 = tpu.memref_slice %arg13[%dma_start3A_292, %dma_start3A_293] : memref<104x128xf32, #tpu.memory_space<vmem>> -> memref<16x128xf32, #tpu.memory_space<vmem>>
        %dma_start3A_295 = arith.constant 9984 : i32
        %dma_start3A_296 = arith.constant 0 : i32
        %dma_start3A_297 = tpu.memref_slice %arg16[%dma_start3A_295, %dma_start3A_296] : memref<11024x128xf32, #tpu.memory_space<vmem_shared>> -> memref<16x128xf32, #tpu.memory_space<vmem_shared>>
        tpu.enqueue_dma source(%dma_start3A_297 : memref<16x128xf32, #tpu.memory_space<vmem_shared>>) target(%dma_start3A_294 : memref<16x128xf32, #tpu.memory_space<vmem>>) target_semaphore(%run_scoped3A : memref<!tpu.dma_semaphore, #tpu.memory_space<semaphore_mem>>)
        %dma_wait3A_298 = arith.constant 0 : i32
        %dma_wait3A_299 = arith.constant 0 : i32
        %dma_wait3A_300 = tpu.memref_slice %arg13[%dma_wait3A_298, %dma_wait3A_299] : memref<104x128xf32, #tpu.memory_space<vmem>> -> memref<16x128xf32, #tpu.memory_space<vmem>>
        %dma_wait3A_301 = arith.constant 9984 : i32
        %dma_wait3A_302 = arith.constant 0 : i32
        %dma_wait3A_303 = tpu.memref_slice %arg16[%dma_wait3A_301, %dma_wait3A_302] : memref<11024x128xf32, #tpu.memory_space<vmem_shared>> -> memref<16x128xf32, #tpu.memory_space<vmem_shared>>
        %dma_wait3A_304 = arith.constant 0 : i32
        %dma_wait3A_305 = arith.constant 0 : i32
        %dma_wait3A_306 = tpu.memref_slice %arg13[%dma_wait3A_304, %dma_wait3A_305] : memref<104x128xf32, #tpu.memory_space<vmem>> -> memref<16x128xf32, #tpu.memory_space<vmem>>
        %dma_wait3A_307 = arith.constant 9984 : i32
        %dma_wait3A_308 = arith.constant 0 : i32
        %dma_wait3A_309 = tpu.memref_slice %arg16[%dma_wait3A_307, %dma_wait3A_308] : memref<11024x128xf32, #tpu.memory_space<vmem_shared>> -> memref<16x128xf32, #tpu.memory_space<vmem_shared>>
        tpu.wait_dma2 semaphore(%run_scoped3A : memref<!tpu.dma_semaphore, #tpu.memory_space<semaphore_mem>>) src(%dma_wait3A_309 : memref<16x128xf32, #tpu.memory_space<vmem_shared>>) dst(%dma_wait3A_306 : memref<16x128xf32, #tpu.memory_space<vmem>>)
        tpu.yield
      }) : () -> ()
      "tpu.region"() ({
        %run_scoped3A = tpu.sem_alloc : memref<!tpu.dma_semaphore, #tpu.memory_space<semaphore_mem>>
        %dma_start3A_286 = arith.constant 0 : i32
        %dma_start3A_287 = arith.constant 0 : i32
        %dma_start3A_288 = tpu.memref_slice %arg13[%dma_start3A_286, %dma_start3A_287] : memref<104x128xf32, #tpu.memory_space<vmem>> -> memref<16x128xf32, #tpu.memory_space<vmem>>
        %dma_start3A_289 = arith.constant 9984 : i32
        %dma_start3A_290 = arith.constant 0 : i32
        %dma_start3A_291 = tpu.memref_slice %arg7[%arg0, %dma_start3A_289, %dma_start3A_290] : memref<2x10000x128xf32, #tpu.memory_space<hbm>> -> memref<1x16x128xf32, #tpu.memory_space<hbm>>
        %dma_start3A_292 = tpu.memref_squeeze %dma_start3A_291 : memref<1x16x128xf32, #tpu.memory_space<hbm>> -> memref<16x128xf32, #tpu.memory_space<hbm>>
        %dma_start3A_293 = arith.constant 9984 : i32
        %dma_start3A_294 = arith.constant 0 : i32
        %dma_start3A_295 = tpu.memref_slice %arg7[%arg0, %dma_start3A_293, %dma_start3A_294] : memref<2x10000x128xf32, #tpu.memory_space<hbm>> -> memref<1x16x128xf32, #tpu.memory_space<hbm>>
        %dma_start3A_296 = tpu.memref_squeeze %dma_start3A_295 : memref<1x16x128xf32, #tpu.memory_space<hbm>> -> memref<16x128xf32, #tpu.memory_space<hbm>>
        %dma_start3A_297 = arith.constant 0 : i32
        %dma_start3A_298 = arith.constant 0 : i32
        %dma_start3A_299 = tpu.memref_slice %arg13[%dma_start3A_297, %dma_start3A_298] : memref<104x128xf32, #tpu.memory_space<vmem>> -> memref<16x128xf32, #tpu.memory_space<vmem>>
        tpu.enqueue_dma source(%dma_start3A_299 : memref<16x128xf32, #tpu.memory_space<vmem>>) target(%dma_start3A_296 : memref<16x128xf32, #tpu.memory_space<hbm>>) target_semaphore(%run_scoped3A : memref<!tpu.dma_semaphore, #tpu.memory_space<semaphore_mem>>)
        %dma_wait3A_300 = arith.constant 0 : i32
        %dma_wait3A_301 = arith.constant 0 : i32
        %dma_wait3A_302 = tpu.memref_slice %arg13[%dma_wait3A_300, %dma_wait3A_301] : memref<104x128xf32, #tpu.memory_space<vmem>> -> memref<16x128xf32, #tpu.memory_space<vmem>>
        %dma_wait3A_303 = arith.constant 9984 : i32
        %dma_wait3A_304 = arith.constant 0 : i32
        %dma_wait3A_305 = tpu.memref_slice %arg7[%arg0, %dma_wait3A_303, %dma_wait3A_304] : memref<2x10000x128xf32, #tpu.memory_space<hbm>> -> memref<1x16x128xf32, #tpu.memory_space<hbm>>
        %dma_wait3A_306 = tpu.memref_squeeze %dma_wait3A_305 : memref<1x16x128xf32, #tpu.memory_space<hbm>> -> memref<16x128xf32, #tpu.memory_space<hbm>>
        %dma_wait3A_307 = arith.constant 9984 : i32
        %dma_wait3A_308 = arith.constant 0 : i32
        %dma_wait3A_309 = tpu.memref_slice %arg7[%arg0, %dma_wait3A_307, %dma_wait3A_308] : memref<2x10000x128xf32, #tpu.memory_space<hbm>> -> memref<1x16x128xf32, #tpu.memory_space<hbm>>
        %dma_wait3A_310 = tpu.memref_squeeze %dma_wait3A_309 : memref<1x16x128xf32, #tpu.memory_space<hbm>> -> memref<16x128xf32, #tpu.memory_space<hbm>>
        %dma_wait3A_311 = arith.constant 0 : i32
        %dma_wait3A_312 = arith.constant 0 : i32
        %dma_wait3A_313 = tpu.memref_slice %arg13[%dma_wait3A_311, %dma_wait3A_312] : memref<104x128xf32, #tpu.memory_space<vmem>> -> memref<16x128xf32, #tpu.memory_space<vmem>>
        tpu.wait_dma2 semaphore(%run_scoped3A : memref<!tpu.dma_semaphore, #tpu.memory_space<semaphore_mem>>) src(%dma_wait3A_313 : memref<16x128xf32, #tpu.memory_space<vmem>>) dst(%dma_wait3A_310 : memref<16x128xf32, #tpu.memory_space<hbm>>)
        tpu.yield
      }) : () -> ()
    } else {
    }
    %barrier3A_145 = arith.constant 0 : index
    tpu.barrier barrier_id(%barrier3A_145)
    "tpu.region"() ({
      %run_scoped3A = tpu.sem_alloc : memref<!tpu.dma_semaphore, #tpu.memory_space<semaphore_mem>>
      tpu.enqueue_dma source(%arg5 : memref<104x128xf32, #tpu.memory_space<hbm>>) target(%arg13 : memref<104x128xf32, #tpu.memory_space<vmem>>) target_semaphore(%run_scoped3A : memref<!tpu.dma_semaphore, #tpu.memory_space<semaphore_mem>>)
      tpu.wait_dma2 semaphore(%run_scoped3A : memref<!tpu.dma_semaphore, #tpu.memory_space<semaphore_mem>>) src(%arg5 : memref<104x128xf32, #tpu.memory_space<hbm>>) dst(%arg13 : memref<104x128xf32, #tpu.memory_space<vmem>>)
      tpu.yield
    }) : () -> ()
    %add3A_146 = arith.constant 0 : i32
    %add3A_147 = arith.addi %mul3A_2, %add3A_146 : i32
    "tpu.region"() ({
      %run_scoped3A = tpu.sem_alloc : memref<!tpu.dma_semaphore, #tpu.memory_space<semaphore_mem>>
      %dma_start3A_286 = arith.constant 0 : i32
      %dma_start3A_287 = tpu.memref_slice %arg16[%add3A_147, %dma_start3A_286] : memref<11024x128xf32, #tpu.memory_space<vmem_shared>> -> memref<104x128xf32, #tpu.memory_space<vmem_shared>>
      %dma_start3A_288 = arith.constant 0 : i32
      %dma_start3A_289 = tpu.memref_slice %arg16[%add3A_147, %dma_start3A_288] : memref<11024x128xf32, #tpu.memory_space<vmem_shared>> -> memref<104x128xf32, #tpu.memory_space<vmem_shared>>
      tpu.enqueue_dma source(%arg13 : memref<104x128xf32, #tpu.memory_space<vmem>>) target(%dma_start3A_289 : memref<104x128xf32, #tpu.memory_space<vmem_shared>>) target_semaphore(%run_scoped3A : memref<!tpu.dma_semaphore, #tpu.memory_space<semaphore_mem>>)
      %dma_wait3A_290 = arith.constant 0 : i32
      %dma_wait3A_291 = tpu.memref_slice %arg16[%add3A_147, %dma_wait3A_290] : memref<11024x128xf32, #tpu.memory_space<vmem_shared>> -> memref<104x128xf32, #tpu.memory_space<vmem_shared>>
      %dma_wait3A_292 = arith.constant 0 : i32
      %dma_wait3A_293 = tpu.memref_slice %arg16[%add3A_147, %dma_wait3A_292] : memref<11024x128xf32, #tpu.memory_space<vmem_shared>> -> memref<104x128xf32, #tpu.memory_space<vmem_shared>>
      tpu.wait_dma2 semaphore(%run_scoped3A : memref<!tpu.dma_semaphore, #tpu.memory_space<semaphore_mem>>) src(%arg13 : memref<104x128xf32, #tpu.memory_space<vmem>>) dst(%dma_wait3A_293 : memref<104x128xf32, #tpu.memory_space<vmem_shared>>)
      tpu.yield
    }) : () -> ()
    %add3A_148 = arith.constant 104 : i32
    %add3A_149 = arith.addi %mul3A_2, %add3A_148 : i32
    "tpu.region"() ({
      %run_scoped3A = tpu.sem_alloc : memref<!tpu.dma_semaphore, #tpu.memory_space<semaphore_mem>>
      %dma_start3A_286 = arith.constant 0 : i32
      %dma_start3A_287 = tpu.memref_slice %arg16[%add3A_149, %dma_start3A_286] : memref<11024x128xf32, #tpu.memory_space<vmem_shared>> -> memref<104x128xf32, #tpu.memory_space<vmem_shared>>
      %dma_start3A_288 = arith.constant 0 : i32
      %dma_start3A_289 = tpu.memref_slice %arg16[%add3A_149, %dma_start3A_288] : memref<11024x128xf32, #tpu.memory_space<vmem_shared>> -> memref<104x128xf32, #tpu.memory_space<vmem_shared>>
      tpu.enqueue_dma source(%arg13 : memref<104x128xf32, #tpu.memory_space<vmem>>) target(%dma_start3A_289 : memref<104x128xf32, #tpu.memory_space<vmem_shared>>) target_semaphore(%run_scoped3A : memref<!tpu.dma_semaphore, #tpu.memory_space<semaphore_mem>>)
      %dma_wait3A_290 = arith.constant 0 : i32
      %dma_wait3A_291 = tpu.memref_slice %arg16[%add3A_149, %dma_wait3A_290] : memref<11024x128xf32, #tpu.memory_space<vmem_shared>> -> memref<104x128xf32, #tpu.memory_space<vmem_shared>>
      %dma_wait3A_292 = arith.constant 0 : i32
      %dma_wait3A_293 = tpu.memref_slice %arg16[%add3A_149, %dma_wait3A_292] : memref<11024x128xf32, #tpu.memory_space<vmem_shared>> -> memref<104x128xf32, #tpu.memory_space<vmem_shared>>
      tpu.wait_dma2 semaphore(%run_scoped3A : memref<!tpu.dma_semaphore, #tpu.memory_space<semaphore_mem>>) src(%arg13 : memref<104x128xf32, #tpu.memory_space<vmem>>) dst(%dma_wait3A_293 : memref<104x128xf32, #tpu.memory_space<vmem_shared>>)
      tpu.yield
    }) : () -> ()
    %add3A_150 = arith.constant 208 : i32
    %add3A_151 = arith.addi %mul3A_2, %add3A_150 : i32
    "tpu.region"() ({
      %run_scoped3A = tpu.sem_alloc : memref<!tpu.dma_semaphore, #tpu.memory_space<semaphore_mem>>
      %dma_start3A_286 = arith.constant 0 : i32
      %dma_start3A_287 = tpu.memref_slice %arg16[%add3A_151, %dma_start3A_286] : memref<11024x128xf32, #tpu.memory_space<vmem_shared>> -> memref<104x128xf32, #tpu.memory_space<vmem_shared>>
      %dma_start3A_288 = arith.constant 0 : i32
      %dma_start3A_289 = tpu.memref_slice %arg16[%add3A_151, %dma_start3A_288] : memref<11024x128xf32, #tpu.memory_space<vmem_shared>> -> memref<104x128xf32, #tpu.memory_space<vmem_shared>>
      tpu.enqueue_dma source(%arg13 : memref<104x128xf32, #tpu.memory_space<vmem>>) target(%dma_start3A_289 : memref<104x128xf32, #tpu.memory_space<vmem_shared>>) target_semaphore(%run_scoped3A : memref<!tpu.dma_semaphore, #tpu.memory_space<semaphore_mem>>)
      %dma_wait3A_290 = arith.constant 0 : i32
      %dma_wait3A_291 = tpu.memref_slice %arg16[%add3A_151, %dma_wait3A_290] : memref<11024x128xf32, #tpu.memory_space<vmem_shared>> -> memref<104x128xf32, #tpu.memory_space<vmem_shared>>
      %dma_wait3A_292 = arith.constant 0 : i32
      %dma_wait3A_293 = tpu.memref_slice %arg16[%add3A_151, %dma_wait3A_292] : memref<11024x128xf32, #tpu.memory_space<vmem_shared>> -> memref<104x128xf32, #tpu.memory_space<vmem_shared>>
      tpu.wait_dma2 semaphore(%run_scoped3A : memref<!tpu.dma_semaphore, #tpu.memory_space<semaphore_mem>>) src(%arg13 : memref<104x128xf32, #tpu.memory_space<vmem>>) dst(%dma_wait3A_293 : memref<104x128xf32, #tpu.memory_space<vmem_shared>>)
      tpu.yield
    }) : () -> ()
    %add3A_152 = arith.constant 312 : i32
    %add3A_153 = arith.addi %mul3A_2, %add3A_152 : i32
    "tpu.region"() ({
      %run_scoped3A = tpu.sem_alloc : memref<!tpu.dma_semaphore, #tpu.memory_space<semaphore_mem>>
      %dma_start3A_286 = arith.constant 0 : i32
      %dma_start3A_287 = tpu.memref_slice %arg16[%add3A_153, %dma_start3A_286] : memref<11024x128xf32, #tpu.memory_space<vmem_shared>> -> memref<104x128xf32, #tpu.memory_space<vmem_shared>>
      %dma_start3A_288 = arith.constant 0 : i32
      %dma_start3A_289 = tpu.memref_slice %arg16[%add3A_153, %dma_start3A_288] : memref<11024x128xf32, #tpu.memory_space<vmem_shared>> -> memref<104x128xf32, #tpu.memory_space<vmem_shared>>
      tpu.enqueue_dma source(%arg13 : memref<104x128xf32, #tpu.memory_space<vmem>>) target(%dma_start3A_289 : memref<104x128xf32, #tpu.memory_space<vmem_shared>>) target_semaphore(%run_scoped3A : memref<!tpu.dma_semaphore, #tpu.memory_space<semaphore_mem>>)
      %dma_wait3A_290 = arith.constant 0 : i32
      %dma_wait3A_291 = tpu.memref_slice %arg16[%add3A_153, %dma_wait3A_290] : memref<11024x128xf32, #tpu.memory_space<vmem_shared>> -> memref<104x128xf32, #tpu.memory_space<vmem_shared>>
      %dma_wait3A_292 = arith.constant 0 : i32
      %dma_wait3A_293 = tpu.memref_slice %arg16[%add3A_153, %dma_wait3A_292] : memref<11024x128xf32, #tpu.memory_space<vmem_shared>> -> memref<104x128xf32, #tpu.memory_space<vmem_shared>>
      tpu.wait_dma2 semaphore(%run_scoped3A : memref<!tpu.dma_semaphore, #tpu.memory_space<semaphore_mem>>) src(%arg13 : memref<104x128xf32, #tpu.memory_space<vmem>>) dst(%dma_wait3A_293 : memref<104x128xf32, #tpu.memory_space<vmem_shared>>)
      tpu.yield
    }) : () -> ()
    %add3A_154 = arith.constant 416 : i32
    %add3A_155 = arith.addi %mul3A_2, %add3A_154 : i32
    "tpu.region"() ({
      %run_scoped3A = tpu.sem_alloc : memref<!tpu.dma_semaphore, #tpu.memory_space<semaphore_mem>>
      %dma_start3A_286 = arith.constant 0 : i32
      %dma_start3A_287 = tpu.memref_slice %arg16[%add3A_155, %dma_start3A_286] : memref<11024x128xf32, #tpu.memory_space<vmem_shared>> -> memref<104x128xf32, #tpu.memory_space<vmem_shared>>
      %dma_start3A_288 = arith.constant 0 : i32
      %dma_start3A_289 = tpu.memref_slice %arg16[%add3A_155, %dma_start3A_288] : memref<11024x128xf32, #tpu.memory_space<vmem_shared>> -> memref<104x128xf32, #tpu.memory_space<vmem_shared>>
      tpu.enqueue_dma source(%arg13 : memref<104x128xf32, #tpu.memory_space<vmem>>) target(%dma_start3A_289 : memref<104x128xf32, #tpu.memory_space<vmem_shared>>) target_semaphore(%run_scoped3A : memref<!tpu.dma_semaphore, #tpu.memory_space<semaphore_mem>>)
      %dma_wait3A_290 = arith.constant 0 : i32
      %dma_wait3A_291 = tpu.memref_slice %arg16[%add3A_155, %dma_wait3A_290] : memref<11024x128xf32, #tpu.memory_space<vmem_shared>> -> memref<104x128xf32, #tpu.memory_space<vmem_shared>>
      %dma_wait3A_292 = arith.constant 0 : i32
      %dma_wait3A_293 = tpu.memref_slice %arg16[%add3A_155, %dma_wait3A_292] : memref<11024x128xf32, #tpu.memory_space<vmem_shared>> -> memref<104x128xf32, #tpu.memory_space<vmem_shared>>
      tpu.wait_dma2 semaphore(%run_scoped3A : memref<!tpu.dma_semaphore, #tpu.memory_space<semaphore_mem>>) src(%arg13 : memref<104x128xf32, #tpu.memory_space<vmem>>) dst(%dma_wait3A_293 : memref<104x128xf32, #tpu.memory_space<vmem_shared>>)
      tpu.yield
    }) : () -> ()
    %add3A_156 = arith.constant 520 : i32
    %add3A_157 = arith.addi %mul3A_2, %add3A_156 : i32
    "tpu.region"() ({
      %run_scoped3A = tpu.sem_alloc : memref<!tpu.dma_semaphore, #tpu.memory_space<semaphore_mem>>
      %dma_start3A_286 = arith.constant 0 : i32
      %dma_start3A_287 = tpu.memref_slice %arg16[%add3A_157, %dma_start3A_286] : memref<11024x128xf32, #tpu.memory_space<vmem_shared>> -> memref<104x128xf32, #tpu.memory_space<vmem_shared>>
      %dma_start3A_288 = arith.constant 0 : i32
      %dma_start3A_289 = tpu.memref_slice %arg16[%add3A_157, %dma_start3A_288] : memref<11024x128xf32, #tpu.memory_space<vmem_shared>> -> memref<104x128xf32, #tpu.memory_space<vmem_shared>>
      tpu.enqueue_dma source(%arg13 : memref<104x128xf32, #tpu.memory_space<vmem>>) target(%dma_start3A_289 : memref<104x128xf32, #tpu.memory_space<vmem_shared>>) target_semaphore(%run_scoped3A : memref<!tpu.dma_semaphore, #tpu.memory_space<semaphore_mem>>)
      %dma_wait3A_290 = arith.constant 0 : i32
      %dma_wait3A_291 = tpu.memref_slice %arg16[%add3A_157, %dma_wait3A_290] : memref<11024x128xf32, #tpu.memory_space<vmem_shared>> -> memref<104x128xf32, #tpu.memory_space<vmem_shared>>
      %dma_wait3A_292 = arith.constant 0 : i32
      %dma_wait3A_293 = tpu.memref_slice %arg16[%add3A_157, %dma_wait3A_292] : memref<11024x128xf32, #tpu.memory_space<vmem_shared>> -> memref<104x128xf32, #tpu.memory_space<vmem_shared>>
      tpu.wait_dma2 semaphore(%run_scoped3A : memref<!tpu.dma_semaphore, #tpu.memory_space<semaphore_mem>>) src(%arg13 : memref<104x128xf32, #tpu.memory_space<vmem>>) dst(%dma_wait3A_293 : memref<104x128xf32, #tpu.memory_space<vmem_shared>>)
      tpu.yield
    }) : () -> ()
    %mul3A_158 = arith.constant 64 : i32
    %mul3A_159 = arith.muli %arg1, %mul3A_158 : i32
    %add3A_160 = arith.constant 10000 : i32
    %add3A_161 = arith.addi %add3A_160, %mul3A_159 : i32
    "tpu.region"() ({
      %run_scoped3A = tpu.sem_alloc : memref<!tpu.dma_semaphore, #tpu.memory_space<semaphore_mem>>
      %dma_start3A_286 = arith.constant 0 : i32
      %dma_start3A_287 = arith.constant 0 : i32
      %dma_start3A_288 = tpu.memref_slice %arg13[%dma_start3A_286, %dma_start3A_287] : memref<104x128xf32, #tpu.memory_space<vmem>> -> memref<64x128xf32, #tpu.memory_space<vmem>>
      %dma_start3A_289 = arith.constant 0 : i32
      %dma_start3A_290 = tpu.memref_slice %arg16[%add3A_161, %dma_start3A_289] : memref<11024x128xf32, #tpu.memory_space<vmem_shared>> -> memref<64x128xf32, #tpu.memory_space<vmem_shared>>
      %dma_start3A_291 = arith.constant 0 : i32
      %dma_start3A_292 = tpu.memref_slice %arg16[%add3A_161, %dma_start3A_291] : memref<11024x128xf32, #tpu.memory_space<vmem_shared>> -> memref<64x128xf32, #tpu.memory_space<vmem_shared>>
      %dma_start3A_293 = arith.constant 0 : i32
      %dma_start3A_294 = arith.constant 0 : i32
      %dma_start3A_295 = tpu.memref_slice %arg13[%dma_start3A_293, %dma_start3A_294] : memref<104x128xf32, #tpu.memory_space<vmem>> -> memref<64x128xf32, #tpu.memory_space<vmem>>
      tpu.enqueue_dma source(%dma_start3A_295 : memref<64x128xf32, #tpu.memory_space<vmem>>) target(%dma_start3A_292 : memref<64x128xf32, #tpu.memory_space<vmem_shared>>) target_semaphore(%run_scoped3A : memref<!tpu.dma_semaphore, #tpu.memory_space<semaphore_mem>>)
      %dma_wait3A_296 = arith.constant 0 : i32
      %dma_wait3A_297 = arith.constant 0 : i32
      %dma_wait3A_298 = tpu.memref_slice %arg13[%dma_wait3A_296, %dma_wait3A_297] : memref<104x128xf32, #tpu.memory_space<vmem>> -> memref<64x128xf32, #tpu.memory_space<vmem>>
      %dma_wait3A_299 = arith.constant 0 : i32
      %dma_wait3A_300 = tpu.memref_slice %arg16[%add3A_161, %dma_wait3A_299] : memref<11024x128xf32, #tpu.memory_space<vmem_shared>> -> memref<64x128xf32, #tpu.memory_space<vmem_shared>>
      %dma_wait3A_301 = arith.constant 0 : i32
      %dma_wait3A_302 = tpu.memref_slice %arg16[%add3A_161, %dma_wait3A_301] : memref<11024x128xf32, #tpu.memory_space<vmem_shared>> -> memref<64x128xf32, #tpu.memory_space<vmem_shared>>
      %dma_wait3A_303 = arith.constant 0 : i32
      %dma_wait3A_304 = arith.constant 0 : i32
      %dma_wait3A_305 = tpu.memref_slice %arg13[%dma_wait3A_303, %dma_wait3A_304] : memref<104x128xf32, #tpu.memory_space<vmem>> -> memref<64x128xf32, #tpu.memory_space<vmem>>
      tpu.wait_dma2 semaphore(%run_scoped3A : memref<!tpu.dma_semaphore, #tpu.memory_space<semaphore_mem>>) src(%dma_wait3A_305 : memref<64x128xf32, #tpu.memory_space<vmem>>) dst(%dma_wait3A_302 : memref<64x128xf32, #tpu.memory_space<vmem_shared>>)
      tpu.yield
    }) : () -> ()
    %eq3A_162 = arith.constant 0 : i32
    %eq3A_163 = arith.cmpi eq, %arg1, %eq3A_162 : i32
    %convert_element_type3A_164 = arith.extui %eq3A_163 : i1 to i32
    %cond3A_165 = arith.constant 0 : i32
    %cond3A_166 = arith.cmpi ne, %convert_element_type3A_164, %cond3A_165 : i32
    scf.if %cond3A_166 {
      "tpu.region"() ({
        %run_scoped3A = tpu.sem_alloc : memref<!tpu.dma_semaphore, #tpu.memory_space<semaphore_mem>>
        %dma_start3A_286 = arith.constant 0 : i32
        %dma_start3A_287 = arith.constant 0 : i32
        %dma_start3A_288 = tpu.memref_slice %arg13[%dma_start3A_286, %dma_start3A_287] : memref<104x128xf32, #tpu.memory_space<vmem>> -> memref<16x128xf32, #tpu.memory_space<vmem>>
        %dma_start3A_289 = arith.constant 9984 : i32
        %dma_start3A_290 = arith.constant 0 : i32
        %dma_start3A_291 = tpu.memref_slice %arg16[%dma_start3A_289, %dma_start3A_290] : memref<11024x128xf32, #tpu.memory_space<vmem_shared>> -> memref<16x128xf32, #tpu.memory_space<vmem_shared>>
        %dma_start3A_292 = arith.constant 9984 : i32
        %dma_start3A_293 = arith.constant 0 : i32
        %dma_start3A_294 = tpu.memref_slice %arg16[%dma_start3A_292, %dma_start3A_293] : memref<11024x128xf32, #tpu.memory_space<vmem_shared>> -> memref<16x128xf32, #tpu.memory_space<vmem_shared>>
        %dma_start3A_295 = arith.constant 0 : i32
        %dma_start3A_296 = arith.constant 0 : i32
        %dma_start3A_297 = tpu.memref_slice %arg13[%dma_start3A_295, %dma_start3A_296] : memref<104x128xf32, #tpu.memory_space<vmem>> -> memref<16x128xf32, #tpu.memory_space<vmem>>
        tpu.enqueue_dma source(%dma_start3A_297 : memref<16x128xf32, #tpu.memory_space<vmem>>) target(%dma_start3A_294 : memref<16x128xf32, #tpu.memory_space<vmem_shared>>) target_semaphore(%run_scoped3A : memref<!tpu.dma_semaphore, #tpu.memory_space<semaphore_mem>>)
        %dma_wait3A_298 = arith.constant 0 : i32
        %dma_wait3A_299 = arith.constant 0 : i32
        %dma_wait3A_300 = tpu.memref_slice %arg13[%dma_wait3A_298, %dma_wait3A_299] : memref<104x128xf32, #tpu.memory_space<vmem>> -> memref<16x128xf32, #tpu.memory_space<vmem>>
        %dma_wait3A_301 = arith.constant 9984 : i32
        %dma_wait3A_302 = arith.constant 0 : i32
        %dma_wait3A_303 = tpu.memref_slice %arg16[%dma_wait3A_301, %dma_wait3A_302] : memref<11024x128xf32, #tpu.memory_space<vmem_shared>> -> memref<16x128xf32, #tpu.memory_space<vmem_shared>>
        %dma_wait3A_304 = arith.constant 9984 : i32
        %dma_wait3A_305 = arith.constant 0 : i32
        %dma_wait3A_306 = tpu.memref_slice %arg16[%dma_wait3A_304, %dma_wait3A_305] : memref<11024x128xf32, #tpu.memory_space<vmem_shared>> -> memref<16x128xf32, #tpu.memory_space<vmem_shared>>
        %dma_wait3A_307 = arith.constant 0 : i32
        %dma_wait3A_308 = arith.constant 0 : i32
        %dma_wait3A_309 = tpu.memref_slice %arg13[%dma_wait3A_307, %dma_wait3A_308] : memref<104x128xf32, #tpu.memory_space<vmem>> -> memref<16x128xf32, #tpu.memory_space<vmem>>
        tpu.wait_dma2 semaphore(%run_scoped3A : memref<!tpu.dma_semaphore, #tpu.memory_space<semaphore_mem>>) src(%dma_wait3A_309 : memref<16x128xf32, #tpu.memory_space<vmem>>) dst(%dma_wait3A_306 : memref<16x128xf32, #tpu.memory_space<vmem_shared>>)
        tpu.yield
      }) : () -> ()
    } else {
    }
    %barrier3A_167 = arith.constant 0 : index
    tpu.barrier barrier_id(%barrier3A_167)
    %add3A_168 = arith.constant 0 : i32
    %add3A_169 = arith.addi %mul3A_4, %add3A_168 : i32
    %multiple_of3A_170 = tpu.assume_multiple %add3A_169, 8 : i32
    %dma_start3A_171 = tpu.memref_slice %arg4[%multiple_of3A_170] : memref<326144xi32, #tpu.memory_space<hbm>> -> memref<104xi32, #tpu.memory_space<hbm>>
    %dma_start3A_172 = tpu.memref_slice %arg4[%multiple_of3A_170] : memref<326144xi32, #tpu.memory_space<hbm>> -> memref<104xi32, #tpu.memory_space<hbm>>
    tpu.enqueue_dma source(%dma_start3A_172 : memref<104xi32, #tpu.memory_space<hbm>>) target(%arg11 : memref<104xi32, #tpu.memory_space<vmem>>) target_semaphore(%arg17 : memref<!tpu.dma_semaphore, #tpu.memory_space<semaphore_mem>>)
    %add3A_173 = arith.constant 104 : i32
    %add3A_174 = arith.addi %mul3A_4, %add3A_173 : i32
    %multiple_of3A_175 = tpu.assume_multiple %add3A_174, 8 : i32
    %dma_start3A_176 = tpu.memref_slice %arg4[%multiple_of3A_175] : memref<326144xi32, #tpu.memory_space<hbm>> -> memref<104xi32, #tpu.memory_space<hbm>>
    %dma_start3A_177 = tpu.memref_slice %arg4[%multiple_of3A_175] : memref<326144xi32, #tpu.memory_space<hbm>> -> memref<104xi32, #tpu.memory_space<hbm>>
    tpu.enqueue_dma source(%dma_start3A_177 : memref<104xi32, #tpu.memory_space<hbm>>) target(%arg12 : memref<104xi32, #tpu.memory_space<vmem>>) target_semaphore(%arg18 : memref<!tpu.dma_semaphore, #tpu.memory_space<semaphore_mem>>)
    %scan3A_178 = arith.constant 0 : i32
    %scan3A_179 = arith.constant 0 : i32
    %scan3A_180 = arith.constant 49 : i32
    %scan3A_181 = arith.addi %scan3A_179, %scan3A_180 : i32
    %scan3A_182 = arith.constant 1 : i32
    scf.for %scan3A_286 = %scan3A_179 to %scan3A_181 step %scan3A_182  : i32 {
      %mul3A_287 = arith.constant 2 : i32
      %mul3A_288 = arith.muli %scan3A_286, %mul3A_287 : i32
      %add3A_289 = arith.constant 0 : i32
      %add3A_290 = arith.addi %mul3A_288, %add3A_289 : i32
      %mul3A_291 = arith.constant 104 : i32
      %mul3A_292 = arith.muli %add3A_290, %mul3A_291 : i32
      %add3A_293 = arith.addi %mul3A_4, %mul3A_292 : i32
      %multiple_of3A_294 = tpu.assume_multiple %add3A_293, 8 : i32
      %dma_wait3A_295 = tpu.memref_slice %arg4[%multiple_of3A_294] : memref<326144xi32, #tpu.memory_space<hbm>> -> memref<104xi32, #tpu.memory_space<hbm>>
      %dma_wait3A_296 = tpu.memref_slice %arg4[%multiple_of3A_294] : memref<326144xi32, #tpu.memory_space<hbm>> -> memref<104xi32, #tpu.memory_space<hbm>>
      tpu.wait_dma2 semaphore(%arg17 : memref<!tpu.dma_semaphore, #tpu.memory_space<semaphore_mem>>) src(%dma_wait3A_296 : memref<104xi32, #tpu.memory_space<hbm>>) dst(%arg11 : memref<104xi32, #tpu.memory_space<vmem>>)
      %dma_start3A_297 = arith.constant 0 : i32
      %dma_start3A_298 = arith.constant 0 : i32
      %dma_start3A_299 = tpu.memref_slice %arg16[%dma_start3A_297, %dma_start3A_298] : memref<11024x128xf32, #tpu.memory_space<vmem_shared>> -> memref<11024x128xf32, #tpu.memory_space<vmem_shared>>
      tpu.enqueue_indirect_dma source(%arg15 : memref<104x128xf32, #tpu.memory_space<vmem>>) target(%dma_start3A_299 : memref<11024x128xf32, #tpu.memory_space<vmem_shared>>) offsets(%arg11 : memref<104xi32, #tpu.memory_space<vmem>>) semaphore(%arg19 : memref<!tpu.dma_semaphore, #tpu.memory_space<semaphore_mem>>) {add = true}
      %mul3A_300 = arith.constant 2 : i32
      %mul3A_301 = arith.muli %scan3A_286, %mul3A_300 : i32
      %add3A_302 = arith.constant 1 : i32
      %add3A_303 = arith.addi %mul3A_301, %add3A_302 : i32
      %mul3A_304 = arith.constant 104 : i32
      %mul3A_305 = arith.muli %add3A_303, %mul3A_304 : i32
      %add3A_306 = arith.addi %mul3A_4, %mul3A_305 : i32
      %multiple_of3A_307 = tpu.assume_multiple %add3A_306, 8 : i32
      %dma_wait3A_308 = tpu.memref_slice %arg4[%multiple_of3A_307] : memref<326144xi32, #tpu.memory_space<hbm>> -> memref<104xi32, #tpu.memory_space<hbm>>
      %dma_wait3A_309 = tpu.memref_slice %arg4[%multiple_of3A_307] : memref<326144xi32, #tpu.memory_space<hbm>> -> memref<104xi32, #tpu.memory_space<hbm>>
      tpu.wait_dma2 semaphore(%arg18 : memref<!tpu.dma_semaphore, #tpu.memory_space<semaphore_mem>>) src(%dma_wait3A_309 : memref<104xi32, #tpu.memory_space<hbm>>) dst(%arg12 : memref<104xi32, #tpu.memory_space<vmem>>)
      %dma_start3A_310 = arith.constant 0 : i32
      %dma_start3A_311 = arith.constant 0 : i32
      %dma_start3A_312 = tpu.memref_slice %arg16[%dma_start3A_310, %dma_start3A_311] : memref<11024x128xf32, #tpu.memory_space<vmem_shared>> -> memref<11024x128xf32, #tpu.memory_space<vmem_shared>>
      tpu.enqueue_indirect_dma source(%arg15 : memref<104x128xf32, #tpu.memory_space<vmem>>) target(%dma_start3A_312 : memref<11024x128xf32, #tpu.memory_space<vmem_shared>>) offsets(%arg12 : memref<104xi32, #tpu.memory_space<vmem>>) semaphore(%arg20 : memref<!tpu.dma_semaphore, #tpu.memory_space<semaphore_mem>>) {add = true}
      %mul3A_313 = arith.constant 2 : i32
      %mul3A_314 = arith.muli %scan3A_286, %mul3A_313 : i32
      %add3A_315 = arith.constant 0 : i32
      %add3A_316 = arith.addi %mul3A_314, %add3A_315 : i32
      %dma_wait3A_317 = arith.constant 0 : i32
      %dma_wait3A_318 = arith.constant 0 : i32
      %dma_wait3A_319 = tpu.memref_slice %arg16[%dma_wait3A_317, %dma_wait3A_318] : memref<11024x128xf32, #tpu.memory_space<vmem_shared>> -> memref<11024x128xf32, #tpu.memory_space<vmem_shared>>
      tpu.wait_indirect_dma semaphore(%arg19 : memref<!tpu.dma_semaphore, #tpu.memory_space<semaphore_mem>>) src(%arg15 : memref<104x128xf32, #tpu.memory_space<vmem>>) dst(%dma_wait3A_319 : memref<11024x128xf32, #tpu.memory_space<vmem_shared>>)
      %add3A_320 = arith.constant 2 : i32
      %add3A_321 = arith.addi %add3A_316, %add3A_320 : i32
      %lt3A = arith.constant 98 : i32
      %lt3A_322 = arith.cmpi slt, %add3A_321, %lt3A : i32
      %convert_element_type3A_323 = arith.extui %lt3A_322 : i1 to i32
      %cond3A_324 = arith.constant 0 : i32
      %cond3A_325 = arith.cmpi ne, %convert_element_type3A_323, %cond3A_324 : i32
      scf.if %cond3A_325 {
        %add3A_340 = arith.constant 2 : i32
        %add3A_341 = arith.addi %add3A_316, %add3A_340 : i32
        %mul3A_342 = arith.constant 104 : i32
        %mul3A_343 = arith.muli %add3A_341, %mul3A_342 : i32
        %add3A_344 = arith.addi %mul3A_4, %mul3A_343 : i32
        %multiple_of3A_345 = tpu.assume_multiple %add3A_344, 8 : i32
        %dma_start3A_346 = tpu.memref_slice %arg4[%multiple_of3A_345] : memref<326144xi32, #tpu.memory_space<hbm>> -> memref<104xi32, #tpu.memory_space<hbm>>
        %dma_start3A_347 = tpu.memref_slice %arg4[%multiple_of3A_345] : memref<326144xi32, #tpu.memory_space<hbm>> -> memref<104xi32, #tpu.memory_space<hbm>>
        tpu.enqueue_dma source(%dma_start3A_347 : memref<104xi32, #tpu.memory_space<hbm>>) target(%arg11 : memref<104xi32, #tpu.memory_space<vmem>>) target_semaphore(%arg17 : memref<!tpu.dma_semaphore, #tpu.memory_space<semaphore_mem>>)
      } else {
      }
      %mul3A_326 = arith.constant 2 : i32
      %mul3A_327 = arith.muli %scan3A_286, %mul3A_326 : i32
      %add3A_328 = arith.constant 1 : i32
      %add3A_329 = arith.addi %mul3A_327, %add3A_328 : i32
      %dma_wait3A_330 = arith.constant 0 : i32
      %dma_wait3A_331 = arith.constant 0 : i32
      %dma_wait3A_332 = tpu.memref_slice %arg16[%dma_wait3A_330, %dma_wait3A_331] : memref<11024x128xf32, #tpu.memory_space<vmem_shared>> -> memref<11024x128xf32, #tpu.memory_space<vmem_shared>>
      tpu.wait_indirect_dma semaphore(%arg20 : memref<!tpu.dma_semaphore, #tpu.memory_space<semaphore_mem>>) src(%arg15 : memref<104x128xf32, #tpu.memory_space<vmem>>) dst(%dma_wait3A_332 : memref<11024x128xf32, #tpu.memory_space<vmem_shared>>)
      %add3A_333 = arith.constant 2 : i32
      %add3A_334 = arith.addi %add3A_329, %add3A_333 : i32
      %lt3A_335 = arith.constant 98 : i32
      %lt3A_336 = arith.cmpi slt, %add3A_334, %lt3A_335 : i32
      %convert_element_type3A_337 = arith.extui %lt3A_336 : i1 to i32
      %cond3A_338 = arith.constant 0 : i32
      %cond3A_339 = arith.cmpi ne, %convert_element_type3A_337, %cond3A_338 : i32
      scf.if %cond3A_339 {
        %add3A_340 = arith.constant 2 : i32
        %add3A_341 = arith.addi %add3A_329, %add3A_340 : i32
        %mul3A_342 = arith.constant 104 : i32
        %mul3A_343 = arith.muli %add3A_341, %mul3A_342 : i32
        %add3A_344 = arith.addi %mul3A_4, %mul3A_343 : i32
        %multiple_of3A_345 = tpu.assume_multiple %add3A_344, 8 : i32
        %dma_start3A_346 = tpu.memref_slice %arg4[%multiple_of3A_345] : memref<326144xi32, #tpu.memory_space<hbm>> -> memref<104xi32, #tpu.memory_space<hbm>>
        %dma_start3A_347 = tpu.memref_slice %arg4[%multiple_of3A_345] : memref<326144xi32, #tpu.memory_space<hbm>> -> memref<104xi32, #tpu.memory_space<hbm>>
        tpu.enqueue_dma source(%dma_start3A_347 : memref<104xi32, #tpu.memory_space<hbm>>) target(%arg12 : memref<104xi32, #tpu.memory_space<vmem>>) target_semaphore(%arg18 : memref<!tpu.dma_semaphore, #tpu.memory_space<semaphore_mem>>)
      } else {
      }
    }
    %scan3A_183 = arith.constant 49 : i32
    %barrier3A_184 = arith.constant 0 : index
    tpu.barrier barrier_id(%barrier3A_184)
    %add3A_185 = arith.constant 0 : i32
    %add3A_186 = arith.addi %mul3A_2, %add3A_185 : i32
    "tpu.region"() ({
      %run_scoped3A = tpu.sem_alloc : memref<!tpu.dma_semaphore, #tpu.memory_space<semaphore_mem>>
      %dma_start3A_286 = arith.constant 0 : i32
      %dma_start3A_287 = tpu.memref_slice %arg16[%add3A_186, %dma_start3A_286] : memref<11024x128xf32, #tpu.memory_space<vmem_shared>> -> memref<104x128xf32, #tpu.memory_space<vmem_shared>>
      %dma_start3A_288 = arith.constant 0 : i32
      %dma_start3A_289 = tpu.memref_slice %arg16[%add3A_186, %dma_start3A_288] : memref<11024x128xf32, #tpu.memory_space<vmem_shared>> -> memref<104x128xf32, #tpu.memory_space<vmem_shared>>
      tpu.enqueue_dma source(%dma_start3A_289 : memref<104x128xf32, #tpu.memory_space<vmem_shared>>) target(%arg13 : memref<104x128xf32, #tpu.memory_space<vmem>>) target_semaphore(%run_scoped3A : memref<!tpu.dma_semaphore, #tpu.memory_space<semaphore_mem>>)
      %dma_wait3A_290 = arith.constant 0 : i32
      %dma_wait3A_291 = tpu.memref_slice %arg16[%add3A_186, %dma_wait3A_290] : memref<11024x128xf32, #tpu.memory_space<vmem_shared>> -> memref<104x128xf32, #tpu.memory_space<vmem_shared>>
      %dma_wait3A_292 = arith.constant 0 : i32
      %dma_wait3A_293 = tpu.memref_slice %arg16[%add3A_186, %dma_wait3A_292] : memref<11024x128xf32, #tpu.memory_space<vmem_shared>> -> memref<104x128xf32, #tpu.memory_space<vmem_shared>>
      tpu.wait_dma2 semaphore(%run_scoped3A : memref<!tpu.dma_semaphore, #tpu.memory_space<semaphore_mem>>) src(%dma_wait3A_293 : memref<104x128xf32, #tpu.memory_space<vmem_shared>>) dst(%arg13 : memref<104x128xf32, #tpu.memory_space<vmem>>)
      tpu.yield
    }) : () -> ()
    %dma_start3A_187 = arith.constant 0 : i32
    %dma_start3A_188 = tpu.memref_slice %arg8[%arg0, %add3A_186, %dma_start3A_187] : memref<2x10000x128xf32, #tpu.memory_space<hbm>> -> memref<1x104x128xf32, #tpu.memory_space<hbm>>
    %dma_start3A_189 = tpu.memref_squeeze %dma_start3A_188 : memref<1x104x128xf32, #tpu.memory_space<hbm>> -> memref<104x128xf32, #tpu.memory_space<hbm>>
    %dma_start3A_190 = arith.constant 0 : i32
    %dma_start3A_191 = tpu.memref_slice %arg8[%arg0, %add3A_186, %dma_start3A_190] : memref<2x10000x128xf32, #tpu.memory_space<hbm>> -> memref<1x104x128xf32, #tpu.memory_space<hbm>>
    %dma_start3A_192 = tpu.memref_squeeze %dma_start3A_191 : memref<1x104x128xf32, #tpu.memory_space<hbm>> -> memref<104x128xf32, #tpu.memory_space<hbm>>
    tpu.enqueue_dma source(%arg13 : memref<104x128xf32, #tpu.memory_space<vmem>>) target(%dma_start3A_192 : memref<104x128xf32, #tpu.memory_space<hbm>>) target_semaphore(%arg19 : memref<!tpu.dma_semaphore, #tpu.memory_space<semaphore_mem>>)
    %add3A_193 = arith.constant 104 : i32
    %add3A_194 = arith.addi %mul3A_2, %add3A_193 : i32
    "tpu.region"() ({
      %run_scoped3A = tpu.sem_alloc : memref<!tpu.dma_semaphore, #tpu.memory_space<semaphore_mem>>
      %dma_start3A_286 = arith.constant 0 : i32
      %dma_start3A_287 = tpu.memref_slice %arg16[%add3A_194, %dma_start3A_286] : memref<11024x128xf32, #tpu.memory_space<vmem_shared>> -> memref<104x128xf32, #tpu.memory_space<vmem_shared>>
      %dma_start3A_288 = arith.constant 0 : i32
      %dma_start3A_289 = tpu.memref_slice %arg16[%add3A_194, %dma_start3A_288] : memref<11024x128xf32, #tpu.memory_space<vmem_shared>> -> memref<104x128xf32, #tpu.memory_space<vmem_shared>>
      tpu.enqueue_dma source(%dma_start3A_289 : memref<104x128xf32, #tpu.memory_space<vmem_shared>>) target(%arg14 : memref<104x128xf32, #tpu.memory_space<vmem>>) target_semaphore(%run_scoped3A : memref<!tpu.dma_semaphore, #tpu.memory_space<semaphore_mem>>)
      %dma_wait3A_290 = arith.constant 0 : i32
      %dma_wait3A_291 = tpu.memref_slice %arg16[%add3A_194, %dma_wait3A_290] : memref<11024x128xf32, #tpu.memory_space<vmem_shared>> -> memref<104x128xf32, #tpu.memory_space<vmem_shared>>
      %dma_wait3A_292 = arith.constant 0 : i32
      %dma_wait3A_293 = tpu.memref_slice %arg16[%add3A_194, %dma_wait3A_292] : memref<11024x128xf32, #tpu.memory_space<vmem_shared>> -> memref<104x128xf32, #tpu.memory_space<vmem_shared>>
      tpu.wait_dma2 semaphore(%run_scoped3A : memref<!tpu.dma_semaphore, #tpu.memory_space<semaphore_mem>>) src(%dma_wait3A_293 : memref<104x128xf32, #tpu.memory_space<vmem_shared>>) dst(%arg14 : memref<104x128xf32, #tpu.memory_space<vmem>>)
      tpu.yield
    }) : () -> ()
    %dma_start3A_195 = arith.constant 0 : i32
    %dma_start3A_196 = tpu.memref_slice %arg8[%arg0, %add3A_194, %dma_start3A_195] : memref<2x10000x128xf32, #tpu.memory_space<hbm>> -> memref<1x104x128xf32, #tpu.memory_space<hbm>>
    %dma_start3A_197 = tpu.memref_squeeze %dma_start3A_196 : memref<1x104x128xf32, #tpu.memory_space<hbm>> -> memref<104x128xf32, #tpu.memory_space<hbm>>
    %dma_start3A_198 = arith.constant 0 : i32
    %dma_start3A_199 = tpu.memref_slice %arg8[%arg0, %add3A_194, %dma_start3A_198] : memref<2x10000x128xf32, #tpu.memory_space<hbm>> -> memref<1x104x128xf32, #tpu.memory_space<hbm>>
    %dma_start3A_200 = tpu.memref_squeeze %dma_start3A_199 : memref<1x104x128xf32, #tpu.memory_space<hbm>> -> memref<104x128xf32, #tpu.memory_space<hbm>>
    tpu.enqueue_dma source(%arg14 : memref<104x128xf32, #tpu.memory_space<vmem>>) target(%dma_start3A_200 : memref<104x128xf32, #tpu.memory_space<hbm>>) target_semaphore(%arg20 : memref<!tpu.dma_semaphore, #tpu.memory_space<semaphore_mem>>)
    %add3A_201 = arith.constant 208 : i32
    %add3A_202 = arith.addi %mul3A_2, %add3A_201 : i32
    %add3A_203 = arith.constant 0 : i32
    %add3A_204 = arith.addi %mul3A_2, %add3A_203 : i32
    %dma_wait3A_205 = arith.constant 0 : i32
    %dma_wait3A_206 = tpu.memref_slice %arg8[%arg0, %add3A_204, %dma_wait3A_205] : memref<2x10000x128xf32, #tpu.memory_space<hbm>> -> memref<1x104x128xf32, #tpu.memory_space<hbm>>
    %dma_wait3A_207 = tpu.memref_squeeze %dma_wait3A_206 : memref<1x104x128xf32, #tpu.memory_space<hbm>> -> memref<104x128xf32, #tpu.memory_space<hbm>>
    %dma_wait3A_208 = arith.constant 0 : i32
    %dma_wait3A_209 = tpu.memref_slice %arg8[%arg0, %add3A_204, %dma_wait3A_208] : memref<2x10000x128xf32, #tpu.memory_space<hbm>> -> memref<1x104x128xf32, #tpu.memory_space<hbm>>
    %dma_wait3A_210 = tpu.memref_squeeze %dma_wait3A_209 : memref<1x104x128xf32, #tpu.memory_space<hbm>> -> memref<104x128xf32, #tpu.memory_space<hbm>>
    tpu.wait_dma2 semaphore(%arg19 : memref<!tpu.dma_semaphore, #tpu.memory_space<semaphore_mem>>) src(%arg13 : memref<104x128xf32, #tpu.memory_space<vmem>>) dst(%dma_wait3A_210 : memref<104x128xf32, #tpu.memory_space<hbm>>)
    "tpu.region"() ({
      %run_scoped3A = tpu.sem_alloc : memref<!tpu.dma_semaphore, #tpu.memory_space<semaphore_mem>>
      %dma_start3A_286 = arith.constant 0 : i32
      %dma_start3A_287 = tpu.memref_slice %arg16[%add3A_202, %dma_start3A_286] : memref<11024x128xf32, #tpu.memory_space<vmem_shared>> -> memref<104x128xf32, #tpu.memory_space<vmem_shared>>
      %dma_start3A_288 = arith.constant 0 : i32
      %dma_start3A_289 = tpu.memref_slice %arg16[%add3A_202, %dma_start3A_288] : memref<11024x128xf32, #tpu.memory_space<vmem_shared>> -> memref<104x128xf32, #tpu.memory_space<vmem_shared>>
      tpu.enqueue_dma source(%dma_start3A_289 : memref<104x128xf32, #tpu.memory_space<vmem_shared>>) target(%arg13 : memref<104x128xf32, #tpu.memory_space<vmem>>) target_semaphore(%run_scoped3A : memref<!tpu.dma_semaphore, #tpu.memory_space<semaphore_mem>>)
      %dma_wait3A_290 = arith.constant 0 : i32
      %dma_wait3A_291 = tpu.memref_slice %arg16[%add3A_202, %dma_wait3A_290] : memref<11024x128xf32, #tpu.memory_space<vmem_shared>> -> memref<104x128xf32, #tpu.memory_space<vmem_shared>>
      %dma_wait3A_292 = arith.constant 0 : i32
      %dma_wait3A_293 = tpu.memref_slice %arg16[%add3A_202, %dma_wait3A_292] : memref<11024x128xf32, #tpu.memory_space<vmem_shared>> -> memref<104x128xf32, #tpu.memory_space<vmem_shared>>
      tpu.wait_dma2 semaphore(%run_scoped3A : memref<!tpu.dma_semaphore, #tpu.memory_space<semaphore_mem>>) src(%dma_wait3A_293 : memref<104x128xf32, #tpu.memory_space<vmem_shared>>) dst(%arg13 : memref<104x128xf32, #tpu.memory_space<vmem>>)
      tpu.yield
    }) : () -> ()
    %dma_start3A_211 = arith.constant 0 : i32
    %dma_start3A_212 = tpu.memref_slice %arg8[%arg0, %add3A_202, %dma_start3A_211] : memref<2x10000x128xf32, #tpu.memory_space<hbm>> -> memref<1x104x128xf32, #tpu.memory_space<hbm>>
    %dma_start3A_213 = tpu.memref_squeeze %dma_start3A_212 : memref<1x104x128xf32, #tpu.memory_space<hbm>> -> memref<104x128xf32, #tpu.memory_space<hbm>>
    %dma_start3A_214 = arith.constant 0 : i32
    %dma_start3A_215 = tpu.memref_slice %arg8[%arg0, %add3A_202, %dma_start3A_214] : memref<2x10000x128xf32, #tpu.memory_space<hbm>> -> memref<1x104x128xf32, #tpu.memory_space<hbm>>
    %dma_start3A_216 = tpu.memref_squeeze %dma_start3A_215 : memref<1x104x128xf32, #tpu.memory_space<hbm>> -> memref<104x128xf32, #tpu.memory_space<hbm>>
    tpu.enqueue_dma source(%arg13 : memref<104x128xf32, #tpu.memory_space<vmem>>) target(%dma_start3A_216 : memref<104x128xf32, #tpu.memory_space<hbm>>) target_semaphore(%arg19 : memref<!tpu.dma_semaphore, #tpu.memory_space<semaphore_mem>>)
    %add3A_217 = arith.constant 312 : i32
    %add3A_218 = arith.addi %mul3A_2, %add3A_217 : i32
    %add3A_219 = arith.constant 104 : i32
    %add3A_220 = arith.addi %mul3A_2, %add3A_219 : i32
    %dma_wait3A_221 = arith.constant 0 : i32
    %dma_wait3A_222 = tpu.memref_slice %arg8[%arg0, %add3A_220, %dma_wait3A_221] : memref<2x10000x128xf32, #tpu.memory_space<hbm>> -> memref<1x104x128xf32, #tpu.memory_space<hbm>>
    %dma_wait3A_223 = tpu.memref_squeeze %dma_wait3A_222 : memref<1x104x128xf32, #tpu.memory_space<hbm>> -> memref<104x128xf32, #tpu.memory_space<hbm>>
    %dma_wait3A_224 = arith.constant 0 : i32
    %dma_wait3A_225 = tpu.memref_slice %arg8[%arg0, %add3A_220, %dma_wait3A_224] : memref<2x10000x128xf32, #tpu.memory_space<hbm>> -> memref<1x104x128xf32, #tpu.memory_space<hbm>>
    %dma_wait3A_226 = tpu.memref_squeeze %dma_wait3A_225 : memref<1x104x128xf32, #tpu.memory_space<hbm>> -> memref<104x128xf32, #tpu.memory_space<hbm>>
    tpu.wait_dma2 semaphore(%arg20 : memref<!tpu.dma_semaphore, #tpu.memory_space<semaphore_mem>>) src(%arg14 : memref<104x128xf32, #tpu.memory_space<vmem>>) dst(%dma_wait3A_226 : memref<104x128xf32, #tpu.memory_space<hbm>>)
    "tpu.region"() ({
      %run_scoped3A = tpu.sem_alloc : memref<!tpu.dma_semaphore, #tpu.memory_space<semaphore_mem>>
      %dma_start3A_286 = arith.constant 0 : i32
      %dma_start3A_287 = tpu.memref_slice %arg16[%add3A_218, %dma_start3A_286] : memref<11024x128xf32, #tpu.memory_space<vmem_shared>> -> memref<104x128xf32, #tpu.memory_space<vmem_shared>>
      %dma_start3A_288 = arith.constant 0 : i32
      %dma_start3A_289 = tpu.memref_slice %arg16[%add3A_218, %dma_start3A_288] : memref<11024x128xf32, #tpu.memory_space<vmem_shared>> -> memref<104x128xf32, #tpu.memory_space<vmem_shared>>
      tpu.enqueue_dma source(%dma_start3A_289 : memref<104x128xf32, #tpu.memory_space<vmem_shared>>) target(%arg14 : memref<104x128xf32, #tpu.memory_space<vmem>>) target_semaphore(%run_scoped3A : memref<!tpu.dma_semaphore, #tpu.memory_space<semaphore_mem>>)
      %dma_wait3A_290 = arith.constant 0 : i32
      %dma_wait3A_291 = tpu.memref_slice %arg16[%add3A_218, %dma_wait3A_290] : memref<11024x128xf32, #tpu.memory_space<vmem_shared>> -> memref<104x128xf32, #tpu.memory_space<vmem_shared>>
      %dma_wait3A_292 = arith.constant 0 : i32
      %dma_wait3A_293 = tpu.memref_slice %arg16[%add3A_218, %dma_wait3A_292] : memref<11024x128xf32, #tpu.memory_space<vmem_shared>> -> memref<104x128xf32, #tpu.memory_space<vmem_shared>>
      tpu.wait_dma2 semaphore(%run_scoped3A : memref<!tpu.dma_semaphore, #tpu.memory_space<semaphore_mem>>) src(%dma_wait3A_293 : memref<104x128xf32, #tpu.memory_space<vmem_shared>>) dst(%arg14 : memref<104x128xf32, #tpu.memory_space<vmem>>)
      tpu.yield
    }) : () -> ()
    %dma_start3A_227 = arith.constant 0 : i32
    %dma_start3A_228 = tpu.memref_slice %arg8[%arg0, %add3A_218, %dma_start3A_227] : memref<2x10000x128xf32, #tpu.memory_space<hbm>> -> memref<1x104x128xf32, #tpu.memory_space<hbm>>
    %dma_start3A_229 = tpu.memref_squeeze %dma_start3A_228 : memref<1x104x128xf32, #tpu.memory_space<hbm>> -> memref<104x128xf32, #tpu.memory_space<hbm>>
    %dma_start3A_230 = arith.constant 0 : i32
    %dma_start3A_231 = tpu.memref_slice %arg8[%arg0, %add3A_218, %dma_start3A_230] : memref<2x10000x128xf32, #tpu.memory_space<hbm>> -> memref<1x104x128xf32, #tpu.memory_space<hbm>>
    %dma_start3A_232 = tpu.memref_squeeze %dma_start3A_231 : memref<1x104x128xf32, #tpu.memory_space<hbm>> -> memref<104x128xf32, #tpu.memory_space<hbm>>
    tpu.enqueue_dma source(%arg14 : memref<104x128xf32, #tpu.memory_space<vmem>>) target(%dma_start3A_232 : memref<104x128xf32, #tpu.memory_space<hbm>>) target_semaphore(%arg20 : memref<!tpu.dma_semaphore, #tpu.memory_space<semaphore_mem>>)
    %add3A_233 = arith.constant 416 : i32
    %add3A_234 = arith.addi %mul3A_2, %add3A_233 : i32
    %add3A_235 = arith.constant 208 : i32
    %add3A_236 = arith.addi %mul3A_2, %add3A_235 : i32
    %dma_wait3A_237 = arith.constant 0 : i32
    %dma_wait3A_238 = tpu.memref_slice %arg8[%arg0, %add3A_236, %dma_wait3A_237] : memref<2x10000x128xf32, #tpu.memory_space<hbm>> -> memref<1x104x128xf32, #tpu.memory_space<hbm>>
    %dma_wait3A_239 = tpu.memref_squeeze %dma_wait3A_238 : memref<1x104x128xf32, #tpu.memory_space<hbm>> -> memref<104x128xf32, #tpu.memory_space<hbm>>
    %dma_wait3A_240 = arith.constant 0 : i32
    %dma_wait3A_241 = tpu.memref_slice %arg8[%arg0, %add3A_236, %dma_wait3A_240] : memref<2x10000x128xf32, #tpu.memory_space<hbm>> -> memref<1x104x128xf32, #tpu.memory_space<hbm>>
    %dma_wait3A_242 = tpu.memref_squeeze %dma_wait3A_241 : memref<1x104x128xf32, #tpu.memory_space<hbm>> -> memref<104x128xf32, #tpu.memory_space<hbm>>
    tpu.wait_dma2 semaphore(%arg19 : memref<!tpu.dma_semaphore, #tpu.memory_space<semaphore_mem>>) src(%arg13 : memref<104x128xf32, #tpu.memory_space<vmem>>) dst(%dma_wait3A_242 : memref<104x128xf32, #tpu.memory_space<hbm>>)
    "tpu.region"() ({
      %run_scoped3A = tpu.sem_alloc : memref<!tpu.dma_semaphore, #tpu.memory_space<semaphore_mem>>
      %dma_start3A_286 = arith.constant 0 : i32
      %dma_start3A_287 = tpu.memref_slice %arg16[%add3A_234, %dma_start3A_286] : memref<11024x128xf32, #tpu.memory_space<vmem_shared>> -> memref<104x128xf32, #tpu.memory_space<vmem_shared>>
      %dma_start3A_288 = arith.constant 0 : i32
      %dma_start3A_289 = tpu.memref_slice %arg16[%add3A_234, %dma_start3A_288] : memref<11024x128xf32, #tpu.memory_space<vmem_shared>> -> memref<104x128xf32, #tpu.memory_space<vmem_shared>>
      tpu.enqueue_dma source(%dma_start3A_289 : memref<104x128xf32, #tpu.memory_space<vmem_shared>>) target(%arg13 : memref<104x128xf32, #tpu.memory_space<vmem>>) target_semaphore(%run_scoped3A : memref<!tpu.dma_semaphore, #tpu.memory_space<semaphore_mem>>)
      %dma_wait3A_290 = arith.constant 0 : i32
      %dma_wait3A_291 = tpu.memref_slice %arg16[%add3A_234, %dma_wait3A_290] : memref<11024x128xf32, #tpu.memory_space<vmem_shared>> -> memref<104x128xf32, #tpu.memory_space<vmem_shared>>
      %dma_wait3A_292 = arith.constant 0 : i32
      %dma_wait3A_293 = tpu.memref_slice %arg16[%add3A_234, %dma_wait3A_292] : memref<11024x128xf32, #tpu.memory_space<vmem_shared>> -> memref<104x128xf32, #tpu.memory_space<vmem_shared>>
      tpu.wait_dma2 semaphore(%run_scoped3A : memref<!tpu.dma_semaphore, #tpu.memory_space<semaphore_mem>>) src(%dma_wait3A_293 : memref<104x128xf32, #tpu.memory_space<vmem_shared>>) dst(%arg13 : memref<104x128xf32, #tpu.memory_space<vmem>>)
      tpu.yield
    }) : () -> ()
    %dma_start3A_243 = arith.constant 0 : i32
    %dma_start3A_244 = tpu.memref_slice %arg8[%arg0, %add3A_234, %dma_start3A_243] : memref<2x10000x128xf32, #tpu.memory_space<hbm>> -> memref<1x104x128xf32, #tpu.memory_space<hbm>>
    %dma_start3A_245 = tpu.memref_squeeze %dma_start3A_244 : memref<1x104x128xf32, #tpu.memory_space<hbm>> -> memref<104x128xf32, #tpu.memory_space<hbm>>
    %dma_start3A_246 = arith.constant 0 : i32
    %dma_start3A_247 = tpu.memref_slice %arg8[%arg0, %add3A_234, %dma_start3A_246] : memref<2x10000x128xf32, #tpu.memory_space<hbm>> -> memref<1x104x128xf32, #tpu.memory_space<hbm>>
    %dma_start3A_248 = tpu.memref_squeeze %dma_start3A_247 : memref<1x104x128xf32, #tpu.memory_space<hbm>> -> memref<104x128xf32, #tpu.memory_space<hbm>>
    tpu.enqueue_dma source(%arg13 : memref<104x128xf32, #tpu.memory_space<vmem>>) target(%dma_start3A_248 : memref<104x128xf32, #tpu.memory_space<hbm>>) target_semaphore(%arg19 : memref<!tpu.dma_semaphore, #tpu.memory_space<semaphore_mem>>)
    %add3A_249 = arith.constant 520 : i32
    %add3A_250 = arith.addi %mul3A_2, %add3A_249 : i32
    %add3A_251 = arith.constant 312 : i32
    %add3A_252 = arith.addi %mul3A_2, %add3A_251 : i32
    %dma_wait3A_253 = arith.constant 0 : i32
    %dma_wait3A_254 = tpu.memref_slice %arg8[%arg0, %add3A_252, %dma_wait3A_253] : memref<2x10000x128xf32, #tpu.memory_space<hbm>> -> memref<1x104x128xf32, #tpu.memory_space<hbm>>
    %dma_wait3A_255 = tpu.memref_squeeze %dma_wait3A_254 : memref<1x104x128xf32, #tpu.memory_space<hbm>> -> memref<104x128xf32, #tpu.memory_space<hbm>>
    %dma_wait3A_256 = arith.constant 0 : i32
    %dma_wait3A_257 = tpu.memref_slice %arg8[%arg0, %add3A_252, %dma_wait3A_256] : memref<2x10000x128xf32, #tpu.memory_space<hbm>> -> memref<1x104x128xf32, #tpu.memory_space<hbm>>
    %dma_wait3A_258 = tpu.memref_squeeze %dma_wait3A_257 : memref<1x104x128xf32, #tpu.memory_space<hbm>> -> memref<104x128xf32, #tpu.memory_space<hbm>>
    tpu.wait_dma2 semaphore(%arg20 : memref<!tpu.dma_semaphore, #tpu.memory_space<semaphore_mem>>) src(%arg14 : memref<104x128xf32, #tpu.memory_space<vmem>>) dst(%dma_wait3A_258 : memref<104x128xf32, #tpu.memory_space<hbm>>)
    "tpu.region"() ({
      %run_scoped3A = tpu.sem_alloc : memref<!tpu.dma_semaphore, #tpu.memory_space<semaphore_mem>>
      %dma_start3A_286 = arith.constant 0 : i32
      %dma_start3A_287 = tpu.memref_slice %arg16[%add3A_250, %dma_start3A_286] : memref<11024x128xf32, #tpu.memory_space<vmem_shared>> -> memref<104x128xf32, #tpu.memory_space<vmem_shared>>
      %dma_start3A_288 = arith.constant 0 : i32
      %dma_start3A_289 = tpu.memref_slice %arg16[%add3A_250, %dma_start3A_288] : memref<11024x128xf32, #tpu.memory_space<vmem_shared>> -> memref<104x128xf32, #tpu.memory_space<vmem_shared>>
      tpu.enqueue_dma source(%dma_start3A_289 : memref<104x128xf32, #tpu.memory_space<vmem_shared>>) target(%arg14 : memref<104x128xf32, #tpu.memory_space<vmem>>) target_semaphore(%run_scoped3A : memref<!tpu.dma_semaphore, #tpu.memory_space<semaphore_mem>>)
      %dma_wait3A_290 = arith.constant 0 : i32
      %dma_wait3A_291 = tpu.memref_slice %arg16[%add3A_250, %dma_wait3A_290] : memref<11024x128xf32, #tpu.memory_space<vmem_shared>> -> memref<104x128xf32, #tpu.memory_space<vmem_shared>>
      %dma_wait3A_292 = arith.constant 0 : i32
      %dma_wait3A_293 = tpu.memref_slice %arg16[%add3A_250, %dma_wait3A_292] : memref<11024x128xf32, #tpu.memory_space<vmem_shared>> -> memref<104x128xf32, #tpu.memory_space<vmem_shared>>
      tpu.wait_dma2 semaphore(%run_scoped3A : memref<!tpu.dma_semaphore, #tpu.memory_space<semaphore_mem>>) src(%dma_wait3A_293 : memref<104x128xf32, #tpu.memory_space<vmem_shared>>) dst(%arg14 : memref<104x128xf32, #tpu.memory_space<vmem>>)
      tpu.yield
    }) : () -> ()
    %dma_start3A_259 = arith.constant 0 : i32
    %dma_start3A_260 = tpu.memref_slice %arg8[%arg0, %add3A_250, %dma_start3A_259] : memref<2x10000x128xf32, #tpu.memory_space<hbm>> -> memref<1x104x128xf32, #tpu.memory_space<hbm>>
    %dma_start3A_261 = tpu.memref_squeeze %dma_start3A_260 : memref<1x104x128xf32, #tpu.memory_space<hbm>> -> memref<104x128xf32, #tpu.memory_space<hbm>>
    %dma_start3A_262 = arith.constant 0 : i32
    %dma_start3A_263 = tpu.memref_slice %arg8[%arg0, %add3A_250, %dma_start3A_262] : memref<2x10000x128xf32, #tpu.memory_space<hbm>> -> memref<1x104x128xf32, #tpu.memory_space<hbm>>
    %dma_start3A_264 = tpu.memref_squeeze %dma_start3A_263 : memref<1x104x128xf32, #tpu.memory_space<hbm>> -> memref<104x128xf32, #tpu.memory_space<hbm>>
    tpu.enqueue_dma source(%arg14 : memref<104x128xf32, #tpu.memory_space<vmem>>) target(%dma_start3A_264 : memref<104x128xf32, #tpu.memory_space<hbm>>) target_semaphore(%arg20 : memref<!tpu.dma_semaphore, #tpu.memory_space<semaphore_mem>>)
    %add3A_265 = arith.constant 416 : i32
    %add3A_266 = arith.addi %mul3A_2, %add3A_265 : i32
    %dma_wait3A_267 = arith.constant 0 : i32
    %dma_wait3A_268 = tpu.memref_slice %arg8[%arg0, %add3A_266, %dma_wait3A_267] : memref<2x10000x128xf32, #tpu.memory_space<hbm>> -> memref<1x104x128xf32, #tpu.memory_space<hbm>>
    %dma_wait3A_269 = tpu.memref_squeeze %dma_wait3A_268 : memref<1x104x128xf32, #tpu.memory_space<hbm>> -> memref<104x128xf32, #tpu.memory_space<hbm>>
    %dma_wait3A_270 = arith.constant 0 : i32
    %dma_wait3A_271 = tpu.memref_slice %arg8[%arg0, %add3A_266, %dma_wait3A_270] : memref<2x10000x128xf32, #tpu.memory_space<hbm>> -> memref<1x104x128xf32, #tpu.memory_space<hbm>>
    %dma_wait3A_272 = tpu.memref_squeeze %dma_wait3A_271 : memref<1x104x128xf32, #tpu.memory_space<hbm>> -> memref<104x128xf32, #tpu.memory_space<hbm>>
    tpu.wait_dma2 semaphore(%arg19 : memref<!tpu.dma_semaphore, #tpu.memory_space<semaphore_mem>>) src(%arg13 : memref<104x128xf32, #tpu.memory_space<vmem>>) dst(%dma_wait3A_272 : memref<104x128xf32, #tpu.memory_space<hbm>>)
    %add3A_273 = arith.constant 520 : i32
    %add3A_274 = arith.addi %mul3A_2, %add3A_273 : i32
    %dma_wait3A_275 = arith.constant 0 : i32
    %dma_wait3A_276 = tpu.memref_slice %arg8[%arg0, %add3A_274, %dma_wait3A_275] : memref<2x10000x128xf32, #tpu.memory_space<hbm>> -> memref<1x104x128xf32, #tpu.memory_space<hbm>>
    %dma_wait3A_277 = tpu.memref_squeeze %dma_wait3A_276 : memref<1x104x128xf32, #tpu.memory_space<hbm>> -> memref<104x128xf32, #tpu.memory_space<hbm>>
    %dma_wait3A_278 = arith.constant 0 : i32
    %dma_wait3A_279 = tpu.memref_slice %arg8[%arg0, %add3A_274, %dma_wait3A_278] : memref<2x10000x128xf32, #tpu.memory_space<hbm>> -> memref<1x104x128xf32, #tpu.memory_space<hbm>>
    %dma_wait3A_280 = tpu.memref_squeeze %dma_wait3A_279 : memref<1x104x128xf32, #tpu.memory_space<hbm>> -> memref<104x128xf32, #tpu.memory_space<hbm>>
    tpu.wait_dma2 semaphore(%arg20 : memref<!tpu.dma_semaphore, #tpu.memory_space<semaphore_mem>>) src(%arg14 : memref<104x128xf32, #tpu.memory_space<vmem>>) dst(%dma_wait3A_280 : memref<104x128xf32, #tpu.memory_space<hbm>>)
    %eq3A_281 = arith.constant 0 : i32
    %eq3A_282 = arith.cmpi eq, %arg1, %eq3A_281 : i32
    %convert_element_type3A_283 = arith.extui %eq3A_282 : i1 to i32
    %cond3A_284 = arith.constant 0 : i32
    %cond3A_285 = arith.cmpi ne, %convert_element_type3A_283, %cond3A_284 : i32
    scf.if %cond3A_285 {
      "tpu.region"() ({
        %run_scoped3A = tpu.sem_alloc : memref<!tpu.dma_semaphore, #tpu.memory_space<semaphore_mem>>
        %dma_start3A_286 = arith.constant 0 : i32
        %dma_start3A_287 = arith.constant 0 : i32
        %dma_start3A_288 = tpu.memref_slice %arg13[%dma_start3A_286, %dma_start3A_287] : memref<104x128xf32, #tpu.memory_space<vmem>> -> memref<16x128xf32, #tpu.memory_space<vmem>>
        %dma_start3A_289 = arith.constant 9984 : i32
        %dma_start3A_290 = arith.constant 0 : i32
        %dma_start3A_291 = tpu.memref_slice %arg16[%dma_start3A_289, %dma_start3A_290] : memref<11024x128xf32, #tpu.memory_space<vmem_shared>> -> memref<16x128xf32, #tpu.memory_space<vmem_shared>>
        %dma_start3A_292 = arith.constant 0 : i32
        %dma_start3A_293 = arith.constant 0 : i32
        %dma_start3A_294 = tpu.memref_slice %arg13[%dma_start3A_292, %dma_start3A_293] : memref<104x128xf32, #tpu.memory_space<vmem>> -> memref<16x128xf32, #tpu.memory_space<vmem>>
        %dma_start3A_295 = arith.constant 9984 : i32
        %dma_start3A_296 = arith.constant 0 : i32
        %dma_start3A_297 = tpu.memref_slice %arg16[%dma_start3A_295, %dma_start3A_296] : memref<11024x128xf32, #tpu.memory_space<vmem_shared>> -> memref<16x128xf32, #tpu.memory_space<vmem_shared>>
        tpu.enqueue_dma source(%dma_start3A_297 : memref<16x128xf32, #tpu.memory_space<vmem_shared>>) target(%dma_start3A_294 : memref<16x128xf32, #tpu.memory_space<vmem>>) target_semaphore(%run_scoped3A : memref<!tpu.dma_semaphore, #tpu.memory_space<semaphore_mem>>)
        %dma_wait3A_298 = arith.constant 0 : i32
        %dma_wait3A_299 = arith.constant 0 : i32
        %dma_wait3A_300 = tpu.memref_slice %arg13[%dma_wait3A_298, %dma_wait3A_299] : memref<104x128xf32, #tpu.memory_space<vmem>> -> memref<16x128xf32, #tpu.memory_space<vmem>>
        %dma_wait3A_301 = arith.constant 9984 : i32
        %dma_wait3A_302 = arith.constant 0 : i32
        %dma_wait3A_303 = tpu.memref_slice %arg16[%dma_wait3A_301, %dma_wait3A_302] : memref<11024x128xf32, #tpu.memory_space<vmem_shared>> -> memref<16x128xf32, #tpu.memory_space<vmem_shared>>
        %dma_wait3A_304 = arith.constant 0 : i32
        %dma_wait3A_305 = arith.constant 0 : i32
        %dma_wait3A_306 = tpu.memref_slice %arg13[%dma_wait3A_304, %dma_wait3A_305] : memref<104x128xf32, #tpu.memory_space<vmem>> -> memref<16x128xf32, #tpu.memory_space<vmem>>
        %dma_wait3A_307 = arith.constant 9984 : i32
        %dma_wait3A_308 = arith.constant 0 : i32
        %dma_wait3A_309 = tpu.memref_slice %arg16[%dma_wait3A_307, %dma_wait3A_308] : memref<11024x128xf32, #tpu.memory_space<vmem_shared>> -> memref<16x128xf32, #tpu.memory_space<vmem_shared>>
        tpu.wait_dma2 semaphore(%run_scoped3A : memref<!tpu.dma_semaphore, #tpu.memory_space<semaphore_mem>>) src(%dma_wait3A_309 : memref<16x128xf32, #tpu.memory_space<vmem_shared>>) dst(%dma_wait3A_306 : memref<16x128xf32, #tpu.memory_space<vmem>>)
        tpu.yield
      }) : () -> ()
      "tpu.region"() ({
        %run_scoped3A = tpu.sem_alloc : memref<!tpu.dma_semaphore, #tpu.memory_space<semaphore_mem>>
        %dma_start3A_286 = arith.constant 0 : i32
        %dma_start3A_287 = arith.constant 0 : i32
        %dma_start3A_288 = tpu.memref_slice %arg13[%dma_start3A_286, %dma_start3A_287] : memref<104x128xf32, #tpu.memory_space<vmem>> -> memref<16x128xf32, #tpu.memory_space<vmem>>
        %dma_start3A_289 = arith.constant 9984 : i32
        %dma_start3A_290 = arith.constant 0 : i32
        %dma_start3A_291 = tpu.memref_slice %arg8[%arg0, %dma_start3A_289, %dma_start3A_290] : memref<2x10000x128xf32, #tpu.memory_space<hbm>> -> memref<1x16x128xf32, #tpu.memory_space<hbm>>
        %dma_start3A_292 = tpu.memref_squeeze %dma_start3A_291 : memref<1x16x128xf32, #tpu.memory_space<hbm>> -> memref<16x128xf32, #tpu.memory_space<hbm>>
        %dma_start3A_293 = arith.constant 9984 : i32
        %dma_start3A_294 = arith.constant 0 : i32
        %dma_start3A_295 = tpu.memref_slice %arg8[%arg0, %dma_start3A_293, %dma_start3A_294] : memref<2x10000x128xf32, #tpu.memory_space<hbm>> -> memref<1x16x128xf32, #tpu.memory_space<hbm>>
        %dma_start3A_296 = tpu.memref_squeeze %dma_start3A_295 : memref<1x16x128xf32, #tpu.memory_space<hbm>> -> memref<16x128xf32, #tpu.memory_space<hbm>>
        %dma_start3A_297 = arith.constant 0 : i32
        %dma_start3A_298 = arith.constant 0 : i32
        %dma_start3A_299 = tpu.memref_slice %arg13[%dma_start3A_297, %dma_start3A_298] : memref<104x128xf32, #tpu.memory_space<vmem>> -> memref<16x128xf32, #tpu.memory_space<vmem>>
        tpu.enqueue_dma source(%dma_start3A_299 : memref<16x128xf32, #tpu.memory_space<vmem>>) target(%dma_start3A_296 : memref<16x128xf32, #tpu.memory_space<hbm>>) target_semaphore(%run_scoped3A : memref<!tpu.dma_semaphore, #tpu.memory_space<semaphore_mem>>)
        %dma_wait3A_300 = arith.constant 0 : i32
        %dma_wait3A_301 = arith.constant 0 : i32
        %dma_wait3A_302 = tpu.memref_slice %arg13[%dma_wait3A_300, %dma_wait3A_301] : memref<104x128xf32, #tpu.memory_space<vmem>> -> memref<16x128xf32, #tpu.memory_space<vmem>>
        %dma_wait3A_303 = arith.constant 9984 : i32
        %dma_wait3A_304 = arith.constant 0 : i32
        %dma_wait3A_305 = tpu.memref_slice %arg8[%arg0, %dma_wait3A_303, %dma_wait3A_304] : memref<2x10000x128xf32, #tpu.memory_space<hbm>> -> memref<1x16x128xf32, #tpu.memory_space<hbm>>
        %dma_wait3A_306 = tpu.memref_squeeze %dma_wait3A_305 : memref<1x16x128xf32, #tpu.memory_space<hbm>> -> memref<16x128xf32, #tpu.memory_space<hbm>>
        %dma_wait3A_307 = arith.constant 9984 : i32
        %dma_wait3A_308 = arith.constant 0 : i32
        %dma_wait3A_309 = tpu.memref_slice %arg8[%arg0, %dma_wait3A_307, %dma_wait3A_308] : memref<2x10000x128xf32, #tpu.memory_space<hbm>> -> memref<1x16x128xf32, #tpu.memory_space<hbm>>
        %dma_wait3A_310 = tpu.memref_squeeze %dma_wait3A_309 : memref<1x16x128xf32, #tpu.memory_space<hbm>> -> memref<16x128xf32, #tpu.memory_space<hbm>>
        %dma_wait3A_311 = arith.constant 0 : i32
        %dma_wait3A_312 = arith.constant 0 : i32
        %dma_wait3A_313 = tpu.memref_slice %arg13[%dma_wait3A_311, %dma_wait3A_312] : memref<104x128xf32, #tpu.memory_space<vmem>> -> memref<16x128xf32, #tpu.memory_space<vmem>>
        tpu.wait_dma2 semaphore(%run_scoped3A : memref<!tpu.dma_semaphore, #tpu.memory_space<semaphore_mem>>) src(%dma_wait3A_313 : memref<16x128xf32, #tpu.memory_space<vmem>>) dst(%dma_wait3A_310 : memref<16x128xf32, #tpu.memory_space<hbm>>)
        tpu.yield
      }) : () -> ()
    } else {
    }
    return
  }
}

module attributes {stable_mosaic.version = 14 : i64} {
  func.func @body(%arg0: i32, %arg1: memref<2x1000x128xf32, #tpu.memory_space<vmem>>, %arg2: memref<2x1000x128xf32, #tpu.memory_space<vmem>>, %arg3: memref<1000x128xf32, #tpu.memory_space<vmem>>, %arg4: memref<128x128xf32, #tpu.memory_space<vmem>>, %arg5: memref<128x128xf32, #tpu.memory_space<vmem>>, %arg6: memref<1000x128xf32, #tpu.memory_space<vmem>>) attributes {dimension_semantics = [#tpu.dimension_semantics<arbitrary>], iteration_bounds = array<i64: 10>, scalar_prefetch = 0 : i64, scratch_operands = 0 : i64, tpu.core_type = #tpu.core_type<tc>, window_params = [{transform_indices = @transform_0, window_bounds = array<i64: 2, 1000, 128>}, {transform_indices = @transform_1, window_bounds = array<i64: 2, 1000, 128>}, {transform_indices = @transform_2, window_bounds = array<i64: 1000, 128>}, {pipeline_mode = #tpu.pipeline_mode<synchronous>, transform_indices = @transform_3, window_bounds = array<i64: 128, 128>}, {pipeline_mode = #tpu.pipeline_mode<synchronous>, transform_indices = @transform_4, window_bounds = array<i64: 128, 128>}, {transform_indices = @transform_5, window_bounds = array<i64: 1000, 128>}]} {
    %get3A = arith.constant 0 : index
    %get3A_0 = arith.constant 0 : index
    %get3A_1 = arith.constant 0 : index
    %get3A_2 = vector.load %arg1[%get3A, %get3A_0, %get3A_1] : memref<2x1000x128xf32, #tpu.memory_space<vmem>>, vector<1x1000x128xf32>
    %get3A_3 = vector.shape_cast %get3A_2 : vector<1x1000x128xf32> to vector<1000x128xf32>
    %get3A_4 = arith.constant 1 : index
    %get3A_5 = arith.constant 0 : index
    %get3A_6 = arith.constant 0 : index
    %get3A_7 = vector.load %arg1[%get3A_4, %get3A_5, %get3A_6] : memref<2x1000x128xf32, #tpu.memory_space<vmem>>, vector<1x1000x128xf32>
    %get3A_8 = vector.shape_cast %get3A_7 : vector<1x1000x128xf32> to vector<1000x128xf32>
    %add3A = arith.addf %get3A_3, %get3A_8 : vector<1000x128xf32>
    %get3A_9 = arith.constant 0 : index
    %get3A_10 = arith.constant 0 : index
    %get3A_11 = arith.constant 0 : index
    %get3A_12 = vector.load %arg2[%get3A_9, %get3A_10, %get3A_11] : memref<2x1000x128xf32, #tpu.memory_space<vmem>>, vector<1x1000x1xf32>
    %get3A_13 = vector.shape_cast %get3A_12 : vector<1x1000x1xf32> to vector<1000x1xf32>
    %get3A_14 = arith.constant 1 : index
    %get3A_15 = arith.constant 0 : index
    %get3A_16 = arith.constant 0 : index
    %get3A_17 = vector.load %arg2[%get3A_14, %get3A_15, %get3A_16] : memref<2x1000x128xf32, #tpu.memory_space<vmem>>, vector<1x1000x1xf32>
    %get3A_18 = vector.shape_cast %get3A_17 : vector<1x1000x1xf32> to vector<1000x1xf32>
    %add3A_19 = arith.addf %get3A_13, %get3A_18 : vector<1000x1xf32>
    %jit3A = arith.constant 1.000000e+00 : f32
    %max3A = vector.broadcast %jit3A : f32 to vector<1000x1xf32>
    %max3A_20 = arith.maximumf %max3A, %add3A_19 : vector<1000x1xf32>
    %div3A = vector.broadcast %max3A_20 : vector<1000x1xf32> to vector<1000x128xf32>
    %div3A_21 = arith.divf %add3A, %div3A : vector<1000x128xf32>
    %get3A_22 = arith.constant 0 : index
    %get3A_23 = arith.constant 0 : index
    %get3A_24 = vector.load %arg4[%get3A_22, %get3A_23] : memref<128x128xf32, #tpu.memory_space<vmem>>, vector<128x128xf32>
    %dot_general3A = arith.constant dense<0.000000e+00> : vector<1000x128xf32>
    %dot_general3A_25 = tpu.matmul %div3A_21, %get3A_24, %dot_general3A {dimension_numbers = #tpu.dot_dimension_numbers<[1], [0], [0], [1], [0, 0, 1, 1], [], []>, transpose_lhs_hint = false} : vector<1000x128xf32>, vector<128x128xf32>, vector<1000x128xf32> -> vector<1000x128xf32>
    %get3A_26 = arith.constant 0 : index
    %get3A_27 = arith.constant 0 : index
    %get3A_28 = vector.load %arg3[%get3A_26, %get3A_27] : memref<1000x128xf32, #tpu.memory_space<vmem>>, vector<1000x128xf32>
    %get3A_29 = arith.constant 0 : index
    %get3A_30 = arith.constant 0 : index
    %get3A_31 = vector.load %arg5[%get3A_29, %get3A_30] : memref<128x128xf32, #tpu.memory_space<vmem>>, vector<128x128xf32>
    %dot_general3A_32 = arith.constant dense<0.000000e+00> : vector<1000x128xf32>
    %dot_general3A_33 = tpu.matmul %get3A_28, %get3A_31, %dot_general3A_32 {dimension_numbers = #tpu.dot_dimension_numbers<[1], [0], [0], [1], [0, 0, 1, 1], [], []>, transpose_lhs_hint = false} : vector<1000x128xf32>, vector<128x128xf32>, vector<1000x128xf32> -> vector<1000x128xf32>
    %add3A_34 = arith.addf %dot_general3A_25, %dot_general3A_33 : vector<1000x128xf32>
    %swap3A = arith.constant 0 : index
    %swap3A_35 = arith.constant 0 : index
    %swap3A_36 = vector.load %arg6[%swap3A, %swap3A_35] : memref<1000x128xf32, #tpu.memory_space<vmem>>, vector<1000x128xf32>
    tpu.vector_store %arg6[%swap3A, %swap3A_35], %add3A_34 {strides = array<i32>} : memref<1000x128xf32, #tpu.memory_space<vmem>>, vector<1000x128xf32>,
    return
  }
  func.func @transform_0(%arg0: i32) -> (i32, i32, i32) {
    %c0_i32 = arith.constant 0 : i32
    %c0_i32_0 = arith.constant 0 : i32
    %c0_i32_1 = arith.constant 0 : i32
    return %c0_i32, %arg0, %c0_i32_0 : i32, i32, i32
  }
  func.func @transform_1(%arg0: i32) -> (i32, i32, i32) {
    %c0_i32 = arith.constant 0 : i32
    %c0_i32_0 = arith.constant 0 : i32
    %c0_i32_1 = arith.constant 0 : i32
    return %c0_i32, %arg0, %c0_i32_0 : i32, i32, i32
  }
  func.func @transform_2(%arg0: i32) -> (i32, i32) {
    %c0_i32 = arith.constant 0 : i32
    %c0_i32_0 = arith.constant 0 : i32
    return %arg0, %c0_i32 : i32, i32
  }
  func.func @transform_3(%arg0: i32) -> (i32, i32) {
    %c0_i32 = arith.constant 0 : i32
    %c0_i32_0 = arith.constant 0 : i32
    %c0_i32_1 = arith.constant 0 : i32
    return %c0_i32, %c0_i32_0 : i32, i32
  }
  func.func @transform_4(%arg0: i32) -> (i32, i32) {
    %c0_i32 = arith.constant 0 : i32
    %c0_i32_0 = arith.constant 0 : i32
    %c0_i32_1 = arith.constant 0 : i32
    return %c0_i32, %c0_i32_0 : i32, i32
  }
  func.func @transform_5(%arg0: i32) -> (i32, i32) {
    %c0_i32 = arith.constant 0 : i32
    %c0_i32_0 = arith.constant 0 : i32
    return %arg0, %c0_i32 : i32, i32
  }
}

</mosaic_0001>

<sc_bundles>
// kernel: kernel.4.cloned.1.call-start
scs
__scs_entry_jumppad:
0x0: {  	(pc) =	sbr.rel $0x88, $3  }
0x1: {  	(tag) =	ssettag $0x0;
	lr =	simm.s32 $0x1  }
0x2: {  	[smem:$0x3F9D] =	sst lr;
	_ =	strace $0xD0000000  }
0x3: {  	_ = 	snop  }
0x4: {  	_ = 	snop  }
0x5: {  	_ = 	snop  }
0x6: {  	_ = 	snop  }
0x7: {  	_ = 	snop  }
__scs_overlays_trampoline_lowered:
0x8: {  	[smem:$0x3FAC] =	sst s0  }
0x9: {  	[smem:$0x3FAD] =	sst s1  }
0xa: {  	[smem:$0x3FAE] =	sst s2  }
0xb: {  	[smem:$0x3FAF] =	sst s3  }
0xc: {  	[smem:$0x3FB0] =	sst s4  }
0xd: {  	[smem:$0x3FB1] =	sst s5  }
0xe: {  	[smem:$0x3FB2] =	sst s6  }
0xf: {  	[smem:$0x3FB3] =	sst s7  }
0x10: {  	[smem:$0x3FB4] =	sst s8  }
0x11: {  	[smem:$0x3FB5] =	sst s9;
	s0 =	simm.s32 @!p0 $0x0  }
0x12: {  	s1 =	sld [smem:$0x3F9B];
	s0 =	simm.s32 @p0 $0x1  }
0x13: {  	[smem:$0x3FB6] =	sst s0;
	s0 =	simm.s32 @!p1 $0x0  }
0x14: {  	s2 =	sld [smem:$0x3F9A];
	s0 =	simm.s32 @p1 $0x1  }
0x15: {  	[smem:$0x3FB7] =	sst s0;
	s0 =	simm.s32 @!p2 $0x0  }
0x16: {  	s3 =	sld [smem:$0x3FDB];
	s0 =	simm.s32 @p2 $0x1  }
0x17: {  	s4 =	simm.s32 $0x1BF5;
	[smem:$0x3FB9] =	sst s0  }
0x18: {  	s0 =	sld [smem:$0x3F9C];
	_ =	swait.ge [sflag:s4], $0x0  }
0x19: {  	s7 =	sld [smem:$0x3F9D]  }
0x1a: {  	s8 =	sadd.s32 $0xFFFFE003, lr  }
0x1b: {  	s9 =	sadd.s32 $0xFFFFFEF7, lr;
	s5 =	simm.s32 $0xFFFFFFFF;
	p2 =	slt.u32 s8, $0xFFFFF086  }
0x1c: {  	p1 =	slt.u32 s9, $0xF7A;
	s5 =	simm.s32 @!p2 $0x0  }
0x1d: {  	s5 =	simm.s32 @p1 $0x1;
	p0 =	seq.s32 s7, s2  }
0x1e: {  	s7 =	smul.u32 @!p0 $0xF7A, s2;
	p2 =	seq.s32 @!p0 s5, $0x0  }
0x1f: {  	s9 =	smul.u32 $0xF7A, s1;
	s8 =	simm.s32 @!p0 $0x1BF5;
	p2 =	por !p2, p0  }
0x20: {  	[sflag:s8] =	ssyncset.s32 @!p0 $0xFFFFF086;
	s6 =	sadd.s32 @!p0 s3, s7;
	s7 =	simm.s32 @!p0 $0x108  }
0x21: {  	s3 =	sadd.s32 s3, s9;
	s6 =	sadd.s32 @!p0 $0x88, s6;
	s7 =	simm.s32 @p2 $0x1082  }
0x22: {  	[simem:s7], [sflag:s8] =	dma.local @!p0 [hbm:s6], $0xF7A  }
0x23: {  	s9 =	sor.u32 $0xD0000000, s2;
	s6 =	simm.s32 $0x108;
	_ =	swait.ge @!p0 [sflag:s8], $0x0  }
0x24: {  	s3 =	sadd.s32 $0x88, s3;
	s6 =	simm.s32 @!p1 $0x1082;
	[sflag:s4] =	ssyncset.s32 $0xFFFFF086  }
0x25: {  	[simem:s6], [sflag:s4] =	dma.local [hbm:s3], $0xF7A  }
0x26: {  	[smem:$0x3F9D] =	sst s1;
	(tag) =	ssettag s2;
	_ =	strace s9  }
0x27: {  	s1 =	sld [smem:$0x3FAD]  }
0x28: {  	s2 =	sld [smem:$0x3FAE]  }
0x29: {  	s4 =	sld [smem:$0x3FB0]  }
0x2a: {  	p0 =	seq.s32 s5, $0x0;
	s5 =	sld [smem:$0x3FB1]  }
0x2b: {  	s6 =	sld [smem:$0x3FB2]  }
0x2c: {  	s7 =	sld [smem:$0x3FB3]  }
0x2d: {  	s3 =	simm.s32 $0x108;
	s8 =	sld [smem:$0x3FB4]  }
0x2e: {  	s3 =	simm.s32 @!p0 $0x1082;
	s9 =	sld [smem:$0x3FB5]  }
0x2f: {  	lr =	sadd.s32 s0, s3;
	s0 =	sld [smem:$0x3FAC]  }
0x30: {  	s3 =	sld [smem:$0x3FAF]  }
0x31: {  	[smem:$0x3FB8] =	sst s10  }
0x32: {  	s10 =	sld [smem:$0x3FB6];
	_ =	sdelay $0x3  }
0x33: {  	p0 =	seq.s32 s10, $0x1;
	s10 =	sld [smem:$0x3FB8];
	_ =	sdelay $0x3  }
0x34: {  	[smem:$0x3FB8] =	sst s10  }
0x35: {  	s10 =	sld [smem:$0x3FB7];
	_ =	sdelay $0x3  }
0x36: {  	p1 =	seq.s32 s10, $0x1;
	s10 =	sld [smem:$0x3FB8];
	_ =	sdelay $0x3  }
0x37: {  	[smem:$0x3FB8] =	sst s10  }
0x38: {  	s10 =	sld [smem:$0x3FB9]  }
0x39: {  	_ = 	snop;
	(pc) =	sbr.ind lr, $3  }
0x3a: {  	_ = 	snop  }
0x3b: {  	_ = 	snop  }
0x3c: {  	p2 =	seq.s32 s10, $0x1;
	s10 =	sld [smem:$0x3FB8]  }
0x3d: {  	_ =	shalt  }
0x3e: {  	_ =	shalt  }
0x3f: {  	_ =	shalt  }
0x40: {  	_ =	shalt  }
0x41: {  	_ =	shalt  }
0x42: {  	_ =	shalt  }
0x43: {  	_ =	shalt  }
0x44: {  	_ =	shalt  }
0x45: {  	_ =	shalt  }
0x46: {  	_ =	shalt  }
0x47: {  	_ =	shalt  }
0x48: {  	_ =	shalt  }
0x49: {  	_ =	shalt  }
0x4a: {  	_ =	shalt  }
0x4b: {  	_ =	shalt  }
0x4c: {  	_ =	shalt  }
0x4d: {  	_ =	shalt  }
0x4e: {  	_ =	shalt  }
0x4f: {  	_ =	shalt  }
0x50: {  	_ =	shalt  }
0x51: {  	_ =	shalt  }
0x52: {  	_ =	shalt  }
0x53: {  	_ =	shalt  }
0x54: {  	_ =	shalt  }
0x55: {  	_ =	shalt  }
0x56: {  	_ =	shalt  }
0x57: {  	_ =	shalt  }
0x58: {  	_ =	shalt  }
0x59: {  	_ =	shalt  }
0x5a: {  	_ =	shalt  }
0x5b: {  	_ =	shalt  }
0x5c: {  	_ =	shalt  }
0x5d: {  	_ =	shalt  }
0x5e: {  	_ =	shalt  }
0x5f: {  	_ =	shalt  }
0x60: {  	_ =	shalt  }
0x61: {  	_ =	shalt  }
0x62: {  	_ =	shalt  }
0x63: {  	_ =	shalt  }
0x64: {  	_ =	shalt  }
0x65: {  	_ =	shalt  }
0x66: {  	_ =	shalt  }
0x67: {  	_ =	shalt  }
0x68: {  	_ =	shalt  }
0x69: {  	_ =	shalt  }
0x6a: {  	_ =	shalt  }
0x6b: {  	_ =	shalt  }
0x6c: {  	_ =	shalt  }
0x6d: {  	_ =	shalt  }
0x6e: {  	_ =	shalt  }
0x6f: {  	_ =	shalt  }
0x70: {  	_ =	shalt  }
0x71: {  	_ =	shalt  }
0x72: {  	_ =	shalt  }
0x73: {  	_ =	shalt  }
0x74: {  	_ =	shalt  }
0x75: {  	_ =	shalt  }
0x76: {  	_ =	shalt  }
0x77: {  	_ =	shalt  }
0x78: {  	_ =	shalt  }
0x79: {  	_ =	shalt  }
0x7a: {  	_ =	shalt  }
0x7b: {  	_ =	shalt  }
0x7c: {  	_ =	shalt  }
0x7d: {  	_ =	shalt  }
0x7e: {  	_ =	shalt  }
0x7f: {  	_ =	shalt  }
0x80: {  	_ =	shalt  }
0x81: {  	_ =	shalt  }
0x82: {  	_ =	shalt  }
0x83: {  	_ =	shalt  }
0x84: {  	_ =	shalt  }
0x85: {  	_ =	shalt  }
0x86: {  	_ =	shalt  }
0x87: {  	_ =	shalt  }
.Lfunc_end0:
.L_simem_size_0:
called_computation_lowered:
.L_overlay_start_0:
0x88: {  	s2 =	sld [smem:$0x3FD9]  }
0x89: {  	s3 =	sld [smem:$0x3FFE];
	_ =	sdelay $0x1  }
0x8a: {  	s1 =	srdreg.scid  }
0x8b: {  	s0 =	sand.u32 $0x1, s1  }
0x8c: {  	s17 =	sshll.u32 s0, $0xA;
	s2 =	sadd.s32 s3, s2  }
0x8d: {  	s2 =	sadd.s32 s2, s17  }
0x8e: {  	[smem:$0x3FC4] =	sst s2  }
0x8f: {  	_ = 	snop  }
0x90: {  	s2 =	sld [smem:$0x3FC9]  }
0x91: {  	s18 =	sld [smem:$0x3FD0];
	(tm) =	ssettm $0x1  }
0x92: {  	s4 =	sld [smem:$0x3FFB];
	_ =	sdelay $0x3  }
0x93: {  	_ =	strace s4  }
0x94: {  	s4 =	sld [smem:$0x3FFC];
	_ =	sdelay $0x3  }
0x95: {  	_ =	strace s4  }
0x96: {  	s4 =	sld [smem:$0x3FFD];
	_ =	sdelay $0x3  }
0x97: {  	_ =	strace s4  }
0x98: {  	_ =	strace $0x8FFFFFFF  }
0x99: {  	s19 =	sld [smem:$0x3FDB];
	_ =	sdelay $0x1  }
0x9a: {  	s5 =	simm.s32 $_scs_section_size  }
0x9b: {  	s6 =	simm.s32 $_size__tile_overlayer_lowered;
	s7 =	simm.s32 $_tile_overlayer_lowered  }
0x9c: {  	s22 =	simm.s32 $0x1BFF;
	s21 =	sshll.u32 s7, $0x1;
	s4 =	sadd.s32 s5, s19  }
0x9d: {  	s8 =	simm.s32 $0x0;
	s20 =	sshll.u32 s6, $0x1;
	s6 =	sadd.s32 s21, s4  }
0x9e: {  	[timem:s8], [sflag:s22] =	dma.local [hbm:s6], s20  }
0x9f: {  	_ =	swait.ge [sflag:s22], s20  }
0xa0: {  	s5 =	ssub.s32 $0x0, s20;
	[sflag:s22] =	ssyncset.done $0x0  }
0xa1: {  	[sflag:s22] =	ssyncadd.s32 s5;
	_ =	sdelay $0x1  }
0xa2: {  	s23 =	simm.s32 $0x1B8B  }
0xa3: {  	_ =	swait.ge [sflag:s23], $0x1  }
0xa4: {  	[sflag:s23] =	ssyncset.done $0x0  }
0xa5: {  	s25 =	simm.s32 $0x1B8E;
	s24 =	sld [smem:$0x3FFE];
	[sflag:s23] =	ssyncadd.s32 $0xFFFFFFFF  }
0xa6: {  	s26 =	simm.s32 $execute0_lowered;
	[smem:$0x3FD2] =	sst s25  }
0xa7: {  	s6 =	sshll.u32 s26, $0x1;
	_ =	strace $0x80000046;
	[dreg:$0x1] =	wrdreg $0xFFFFFFFF  }
0xa8: {  	s28 =	simm.s32 $_size_execute0_lowered;
	s4 =	sadd.s32 s4, s6;
	[dreg:$0x0] =	wrdreg $0x0  }
0xa9: {  	s6 =	sshll.u32 s28, $0x1;
	[dreg:$0x2] =	wrdreg s4  }
0xaa: {  	[dreg:$0x3] =	wrdreg s6  }
0xab: {  	[dreg:$0x4] =	wrdreg $0xC0  }
0xac: {  	_ =	task [dreg:s8], $0x5FFFF  }
0xad: {  	[dreg:$0x1] =	wrdreg $0xFFFFFFFF  }
0xae: {  	[dreg:$0x0] =	wrdreg $0x60  }
0xaf: {  	[dreg:$0x2] =	wrdreg s2  }
0xb0: {  	[dreg:$0x3] =	wrdreg s18  }
0xb1: {  	[dreg:$0x4] =	wrdreg s24  }
0xb2: {  	[dreg:$0x5] =	wrdreg $0x9E000  }
0xb3: {  	[dreg:$0x6] =	wrdreg $0x9  }
0xb4: {  	_ =	task.clear_ibuf [dreg:s8], $0x7FFFF;
	_ =	strace $0x90000046  }
0xb5: {  	s29 =	simm.s32 $0x9;
	_ =	strace $0x80000048  }
0xb6: {  	_ =	swait.ge [sflag:s29], $0x1  }
0xb7: {  	[sflag:s29] =	ssyncadd.s32 $0xFFFFFFFF  }
0xb8: {  	_ =	strace $0x90000048  }
0xb9: {  	_ =	sfence  }
0xba: {  	s30 =	sld [smem:$0x0];
	_ =	sdelay $0x2  }
0xbb: {  	s31 =	sshll.u32 s1, $0xD;
	s1 =	sshrl.u32 s1, $0x2  }
0xbc: {  	s3 =	sand.u32 $0x4000, s31;
	s1 =	sadd.s32 s1, s30  }
0xbd: {  	s0 =	sor.u32 s3, s0;
	s1 =	sshll.u32 s1, $0x11  }
0xbe: {  	s0 =	sor.u32 s1, s0  }
0xbf: {  	s0 =	sadd.s32 $0x8F2B, s0  }
0xc0: {  	[sflag:s0] =	ssyncadd.remote.s32 $0x1  }
0xc1: {  	_ =	sfence.sel $0xFFFF  }
0xc2: {  	[dreg:$0x0] =	wrdreg $0xFFFFFFFF;
	(pc) =	sbr.abs _section_cstart, $3  }
0xc3: {  	[dreg:$0x1] =	wrdreg $0xFFFFFFFF  }
0xc4: {  	_ =	task.clear_ibuf [dreg:s8], $0x2FFFF;
	_ =	strace $0x9FFFFFFF  }
0xc5: {  	(tm) =	ssettm $0x7FFFFFFF  }
tec
execute0_lowered:
.L_overlay_start_1:
0x0: {  	(tag) =	ssettag $0x1  }
0x1: {  	s3 =	rddreg [dreg:$0x2]  }
0x2: {  	s0 =	simm.s32 $0x0;
	s1 =	srdreg.scid;
	s2 =	stileid.u32  }
0x3: {  	s30 =	simm.s32 $0x2;
	[smem:$0x7FF] =	sst s0;
	s4 =	sand.u32 $0x1, s1  }
0x4: {  	s5 =	sadd.s32 $0xC000, s3;
	s6 =	smul.u32 $0x13800, s2;
	s8 =	sshll.u32 s2, $0x1  }
0x5: {  	s10 =	sadd.s32 $0x5A200, s3;
	p0 =	sne.s32 s2, $0x0;
	s1 =	ssub.s32 $0x2, s4  }
0x6: {  	s9 =	smul.u32 $0x138800, s4;
	s7 =	sshrl.u32 s1, $0x1;
	s12 =	sadd.s32 $0x6800, s6  }
0x7: {  	s13 =	sadd.s32 $0x9C00, s6;
	s15 =	sadd.s32 $0xD000, s6;
	s1 =	ssub.s32 s1, s7  }
0x8: {  	s7 =	sor.u32 s4, s8;
	s8 =	sadd.s32 $0x3400, s6;
	s11 =	sadd.s32 s6, s9  }
0x9: {  	s6 =	sadd.s32 $0x10400, s6;
	s16 =	sadd.s32 s9, s12;
	s17 =	sadd.s32 s9, s13  }
0xa: {  	s25 =	sadd.s32 s9, s15;
	s4 =	smul.u32 $0x27D0, s4;
	s11 =	sshrl.u32 s11, $0x3  }
0xb: {  	s22 =	sadd.s32 s9, s8;
	s16 =	sshrl.u32 s16, $0x3;
	s14 =	sadd.s32 s5, s11  }
0xc: {  	s17 =	sshrl.u32 s17, $0x3;
	s23 =	sadd.s32 s5, s16;
	[dreg:$0x5] =	wrdreg s14  }
0xd: {  	s19 =	sadd.s32 s9, s6;
	s24 =	sadd.s32 s5, s17;
	[dreg:$0x7] =	wrdreg s23  }
0xe: {  	s9 =	sshrl.u32 s9, $0x3;
	s11 =	sadd.s32 s10, s11;
	[dreg:$0x8] =	wrdreg s24  }
0xf: {  	s1 =	smax.u32 s1, $0x1;
	s16 =	sadd.s32 s10, s16;
	[dreg:$0xc] =	wrdreg s11  }
0x10: {  	s19 =	sshrl.u32 s19, $0x3;
	s9 =	sadd.s32 $0x27000, s9;
	[dreg:$0xe] =	wrdreg s16  }
0x11: {  	s14 =	sshrl.u32 s22, $0x3;
	s26 =	sadd.s32 s5, s19;
	s11 =	rddreg [dreg:$0x0]  }
0x12: {  	s16 =	rddreg [dreg:$0x3];
	s22 =	smul.u32 $0x4FA0, s2;
	s23 =	sadd.s32 s10, s19  }
0x13: {  	s24 =	smul.u32 $0x4E000, s2;
	s19 =	sadd.s32 $0x1000, s3;
	s2 =	sshll.u32 s2, $0xD  }
0x14: {  	s18 =	sadd.s32 s5, s14;
	[dreg:$0xa] =	wrdreg s26;
	s14 =	sadd.s32 s10, s14  }
0x15: {  	[dreg:$0x11] =	wrdreg s23;
	s26 =	sadd.s32 $0xB800, s3;
	s3 =	sadd.s32 $0xB000, s3  }
0x16: {  	s31 =	sadd.s32 s8, s16;
	s28 =	sadd.s32 s6, s16;
	[dreg:$0x6] =	wrdreg s18  }
0x17: {  	s2 =	sadd.s32 s2, s16;
	s18 =	sshrl.u32 s25, $0x3;
	[dreg:$0xd] =	wrdreg s14  }
0x18: {  	s6 =	sadd.s32 $0x138000, s16;
	s14 =	rddreg [dreg:$0x1];
	s20 =	sadd.s32 s5, s18  }
0x19: {  	s8 =	simm.s32 $0x5;
	s5 =	sadd.s32 s5, s9;
	[dreg:$0x9] =	wrdreg s20  }
0x1a: {  	s25 =	sshrl.u32 s24, $0x2;
	s21 =	sadd.s32 s10, s18;
	[dreg:$0xb] =	wrdreg s5  }
0x1b: {  	s24 =	sadd.s32 s12, s16;
	s9 =	sadd.s32 s10, s9;
	[dreg:$0x10] =	wrdreg s21  }
0x1c: {  	s2 =	sadd.s32 $0x138800, s2;
	s20 =	sadd.s32 s10, s17;
	[dreg:$0x12] =	wrdreg s9  }
0x1d: {  	s12 =	simm.s32 $0x68;
	s29 =	sadd.s32 s25, s16;
	[dreg:$0xf] =	wrdreg s20  }
0x1e: {  	s25 =	sadd.s32 s13, s16;
	_ =	strace $0x80000047;
	[dreg:$0x13] =	wrdreg s26  }
0x1f: {  	s5 =	sadd.s32 s4, s22;
	s10 =	smul.u32 $0x27D0, s7;
	[dreg:$0x14] =	wrdreg s3  }
0x20: {  	s7 =	simm.s32 $0x200;
	s9 =	simm.s32 $0x6A00;
	[dreg:$0x17] =	wrdreg s2  }
0x21: {  	s20 =	sadd.s32 $0x138, s5;
	s23 =	sadd.s32 $0xD0, s5;
	[dreg:$0x1c] =	wrdreg s1  }
0x22: {  	s26 =	sadd.s32 s15, s16;
	s13 =	sshrl.u32 s10, $0x3;
	[dreg:$0x1d] =	wrdreg s23  }
0x23: {  	s15 =	sadd.s32 $0x68, s10;
	s22 =	sshrl.u32 s20, $0x3;
	[dreg:$0x15] =	wrdreg s29  }
0x24: {  	s10 =	simm.s32 $0x100;
	s20 =	simm.s32 $0x0;
	[dreg:$0x16] =	wrdreg s31  }
0x25: {  	[dreg:$0x1e] =	wrdreg s6;
	s17 =	sadd.s32 s14, s13;
	s18 =	sadd.s32 s19, s13  }
0x26: {  	s2 =	sshrl.u32 s15, $0x3;
	s3 =	sadd.s32 s22, s19;
	s4 =	sadd.s32 s22, s14  }
0x27: {  	s15 =	simm.s32 $0x80;
	s13 =	simm.s32 $0x3;
	[dreg:$0x18] =	wrdreg s17  }
0x28: {  	[dreg:$0x19] =	wrdreg s18;
	s21 =	sadd.s32 s14, s2;
	s2 =	sadd.s32 s19, s2  }
0x29: {  	s17 =	simm.s32 $0x180;
	s18 =	simm.s32 $0x3600;
	[dreg:$0x1a] =	wrdreg s21  }
0x2a: {  	[dreg:$0x1b] =	wrdreg s2;
	s21 =	simm.s32 $0x1;
	s2 =	simm.s32 $0x4  }
.LBB2_1:
0x2b: {  	s1 =	rddreg [dreg:$0x13]  }
0x2c: {  	[tilespmem:s7], [sflag:$0x5] =	stream.linear.gather [hbm4b:s1+s0], $0x3400, $0x38;
	[tilespmem:$0x1F680] =	vst v63  }
0x2d: {  	_ =	swait.ge [sflag:s8], $0x3400  }
0x2e: {  	[sflag:s8] =	ssyncset.done $0x0  }
0x2f: {  	s22 =	rddreg [dreg:$0x14];
	[sflag:s8] =	ssyncadd.s32 $0xFFFFCC00  }
0x30: {  	[tilespmem:s9], [sflag:$0x5] =	stream.linear.gather [hbm4b:s22+s0], $0x3400, $0x38;
	[tilespmem:$0x1F680] =	vst v63  }
0x31: {  	_ =	swait.ge [sflag:s8], $0x3400  }
0x32: {  	[sflag:s8] =	ssyncset.done $0x0  }
0x33: {  	[sflag:s8] =	ssyncadd.s32 $0xFFFFCC00  }
0x34: {  	[spmem:s29] =	stream.linear.scatter [tilespmem:s7], [sflag:$0x5], $0x3400, $0x38;
	[tilespmem:$0x1F680] =	vst v63  }
0x35: {  	_ =	swait.ge [sflag:s8], $0x3400  }
0x36: {  	[sflag:s8] =	ssyncset.done $0x0  }
0x37: {  	[sflag:s8] =	ssyncadd.s32 $0xFFFFCC00  }
0x38: {  	[spmem:s31] =	stream.linear.scatter [tilespmem:s7], [sflag:$0x5], $0x3400, $0x38;
	[tilespmem:$0x1F680] =	vst v63  }
0x39: {  	_ =	swait.ge [sflag:s8], $0x3400  }
0x3a: {  	[sflag:s8] =	ssyncset.done $0x0  }
0x3b: {  	[sflag:s8] =	ssyncadd.s32 $0xFFFFCC00  }
0x3c: {  	[spmem:s24] =	stream.linear.scatter [tilespmem:s7], [sflag:$0x5], $0x3400, $0x38;
	[tilespmem:$0x1F680] =	vst v63  }
0x3d: {  	_ =	swait.ge [sflag:s8], $0x3400  }
0x3e: {  	[sflag:s8] =	ssyncset.done $0x0  }
0x3f: {  	s23 =	smov.u32 s25;
	[sflag:s8] =	ssyncadd.s32 $0xFFFFCC00  }
0x40: {  	[spmem:s23] =	stream.linear.scatter [tilespmem:s7], [sflag:$0x5], $0x3400, $0x38;
	[tilespmem:$0x1F680] =	vst v63  }
0x41: {  	_ =	swait.ge [sflag:s8], $0x3400  }
0x42: {  	[sflag:s8] =	ssyncset.done $0x0  }
0x43: {  	s5 =	smov.u32 s26;
	[sflag:s8] =	ssyncadd.s32 $0xFFFFCC00  }
0x44: {  	[spmem:s5] =	stream.linear.scatter [tilespmem:s7], [sflag:$0x5], $0x3400, $0x38;
	[tilespmem:$0x1F680] =	vst v63  }
0x45: {  	_ =	swait.ge [sflag:s8], $0x3400  }
0x46: {  	[sflag:s8] =	ssyncset.done $0x0  }
0x47: {  	s29 =	smov.u32 s28;
	[sflag:s8] =	ssyncadd.s32 $0xFFFFCC00  }
0x48: {  	[spmem:s29] =	stream.linear.scatter [tilespmem:s7], [sflag:$0x5], $0x3400, $0x38;
	[tilespmem:$0x1F680] =	vst v63  }
0x49: {  	_ =	swait.ge [sflag:s8], $0x3400  }
0x4a: {  	[sflag:s8] =	ssyncset.done $0x0  }
0x4b: {  	s22 =	rddreg [dreg:$0x17];
	[sflag:s8] =	ssyncadd.s32 $0xFFFFCC00  }
0x4c: {  	[spmem:s22] =	stream.linear.scatter [tilespmem:s7], [sflag:$0x5], $0x2000, $0x38;
	[tilespmem:$0x1F680] =	vst v63  }
0x4d: {  	_ =	swait.ge [sflag:s8], $0x2000  }
0x4e: {  	s1 =	simm.s32 @!p0 $0x200;
	[sflag:s8] =	ssyncset.done $0x0  }
0x4f: {  	s28 =	smov.u32 s5;
	s5 =	smov.u32 s6;
	[sflag:s8] =	ssyncadd.s32 $0xFFFFE000  }
0x50: {  	[spmem:s5] =	stream.linear.scatter @!p0 [tilespmem:s1], [sflag:$0x5], $0x800, $0x38;
	[tilespmem:$0x1F680] =	vst v63  }
0x51: {  	s1 =	simm.s32 @!p0 $0x5  }
0x52: {  	_ =	swait.ge @!p0 [sflag:s1], $0x800  }
0x53: {  	[sflag:s1] =	ssyncset.done @!p0 $0x0  }
0x54: {  	[sflag:s1] =	ssyncadd.s32 @!p0 $0xFFFFF800  }
0x55: {  	[bflag:$0x0] =	sbarrier.arrive $0xFFFF  }
0x56: {  	s26 =	smov.u32 s23;
	s23 =	rddreg [dreg:$0x18]  }
0x57: {  	[tilespmem:s0], [sflag:$0x5] =	stream.linear.gather [hbm4b:s23+s0], $0x68, $0x38;
	[tilespmem:$0x1F680] =	vst v63  }
0x58: {  	_ =	swait.ge [sflag:s8], $0x68  }
0x59: {  	[sflag:s8] =	ssyncset.done $0x0  }
0x5a: {  	s25 =	smov.u32 s24;
	s24 =	rddreg [dreg:$0x19];
	[sflag:s8] =	ssyncadd.s32 $0xFFFFFF98  }
0x5b: {  	[tilespmem:s10], [sflag:$0x5] =	stream.linear.gather [hbm4b:s24+s0], $0x68, $0x38;
	[tilespmem:$0x1F680] =	vst v63  }
0x5c: {  	_ =	swait.ge [sflag:s8], $0x68  }
0x5d: {  	[sflag:s8] =	ssyncset.done $0x0  }
0x5e: {  	[sflag:s8] =	ssyncadd.s32 $0xFFFFFF98  }
0x5f: {  	[tilespmem:s7], [sflag:$0x1] =	stream.indirect.gather [hbm4b:s11+s12], $0x80, s0, s12, $0xb8;
	[tilespmem:$0x1F680] =	vst v63  }
0x60: {  	s6 =	smov.u32 s29;
	s29 =	rddreg [dreg:$0x1a]  }
0x61: {  	[tilespmem:s15], [sflag:$0x5] =	stream.linear.gather [hbm4b:s29+s0], $0x68, $0x38;
	[tilespmem:$0x1F680] =	vst v63  }
0x62: {  	_ =	swait.ge [sflag:s8], $0x68  }
0x63: {  	[sflag:s8] =	ssyncset.done $0x0  }
0x64: {  	s5 =	rddreg [dreg:$0x1b];
	[sflag:s8] =	ssyncadd.s32 $0xFFFFFF98  }
0x65: {  	[tilespmem:s17], [sflag:$0x5] =	stream.linear.gather [hbm4b:s5+s0], $0x68, $0x38;
	[tilespmem:$0x1F680] =	vst v63  }
0x66: {  	_ =	swait.ge [sflag:s8], $0x68  }
0x67: {  	[sflag:s8] =	ssyncset.done $0x0  }
0x68: {  	[sflag:s8] =	ssyncadd.s32 $0xFFFFFF98  }
0x69: {  	[tilespmem:s18], [sflag:$0x2] =	stream.indirect.gather [hbm4b:s11+s12], $0x80, s15, s12, $0xb8;
	[tilespmem:$0x1F680] =	vst v63  }
0x6a: {  	_ =	swait.ge [sflag:s21], $0x3400  }
0x6b: {  	[sflag:s21] =	ssyncset.done $0x0  }
0x6c: {  	[sflag:s21] =	ssyncadd.s32 $0xFFFFCC00  }
0x6d: {  	[spmem:s16] =	stream.indirect.scatter.add.f32 [tilespmem:s7], [sflag:$0x3], $0x80, s10, s12, $0xb8;
	[tilespmem:$0x1F680] =	vst v63  }
0x6e: {  	_ =	swait.ge [sflag:s30], $0x3400  }
0x6f: {  	[sflag:s30] =	ssyncset.done $0x0  }
0x70: {  	[sflag:s30] =	ssyncadd.s32 $0xFFFFCC00  }
0x71: {  	[spmem:s16] =	stream.indirect.scatter.add.f32 [tilespmem:s18], [sflag:$0x4], $0x80, s17, s12, $0xb8;
	[tilespmem:$0x1F680] =	vst v63  }
0x72: {  	_ =	swait.ge [sflag:s13], $0x3400  }
0x73: {  	s5 =	rddreg [dreg:$0x1d]  }
0x74: {  	[sflag:s13] =	ssyncset.done $0x0;
	s22 =	sshrl.u32 s5, $0x3  }
0x75: {  	[sflag:s13] =	ssyncadd.s32 $0xFFFFCC00;
	s23 =	sadd.s32 s14, s22  }
0x76: {  	[tilespmem:s0], [sflag:$0x5] =	stream.linear.gather [hbm4b:s23+s0], $0x68, $0x38;
	[tilespmem:$0x1F680] =	vst v63  }
0x77: {  	_ =	swait.ge [sflag:s8], $0x68  }
0x78: {  	s1 =	sadd.s32 s19, s22;
	[sflag:s8] =	ssyncset.done $0x0  }
0x79: {  	[dreg:$0x1f] =	wrdreg s1;
	[sflag:s8] =	ssyncadd.s32 $0xFFFFFF98  }
0x7a: {  	[tilespmem:s10], [sflag:$0x5] =	stream.linear.gather [hbm4b:s1+s0], $0x68, $0x38;
	[tilespmem:$0x1F680] =	vst v63  }
0x7b: {  	_ =	swait.ge [sflag:s8], $0x68  }
0x7c: {  	[sflag:s8] =	ssyncset.done $0x0  }
0x7d: {  	[sflag:s8] =	ssyncadd.s32 $0xFFFFFF98  }
0x7e: {  	[tilespmem:s7], [sflag:$0x1] =	stream.indirect.gather [hbm4b:s11+s12], $0x80, s0, s12, $0xb8;
	[tilespmem:$0x1F680] =	vst v63  }
0x7f: {  	_ =	swait.ge [sflag:s2], $0x3400  }
0x80: {  	[sflag:s2] =	ssyncset.done $0x0  }
0x81: {  	s24 =	sadd.s32 $0x0, s4;
	[sflag:s2] =	ssyncadd.s32 $0xFFFFCC00  }
0x82: {  	[tilespmem:s15], [sflag:$0x5] =	stream.linear.gather [hbm4b:s24+s0], $0x68, $0x38;
	[tilespmem:$0x1F680] =	vst v63  }
0x83: {  	_ =	swait.ge [sflag:s8], $0x68  }
0x84: {  	[sflag:s8] =	ssyncset.done $0x0  }
0x85: {  	s29 =	sadd.s32 $0x0, s3;
	[sflag:s8] =	ssyncadd.s32 $0xFFFFFF98  }
0x86: {  	[tilespmem:s17], [sflag:$0x5] =	stream.linear.gather [hbm4b:s29+s0], $0x68, $0x38;
	[tilespmem:$0x1F680] =	vst v63  }
0x87: {  	_ =	swait.ge [sflag:s8], $0x68  }
0x88: {  	[sflag:s8] =	ssyncset.done $0x0  }
0x89: {  	s31 =	simm.s32 $0x1A;
	s1 =	sadd.s32 $0xD0, s5;
	[sflag:s8] =	ssyncadd.s32 $0xFFFFFF98  }
.LBB2_2:
0x8a: {  	[tilespmem:s18], [sflag:$0x2] =	stream.indirect.gather [hbm4b:s11+s12], $0x80, s15, s12, $0xb8;
	[tilespmem:$0x1F680] =	vst v63  }
0x8b: {  	s5 =	smov.u32 s31  }
0x8c: {  	p1 =	sne.s32 s31, $0x4C6;
	s31 =	sadd.s32 $0x1A, s31;
	_ =	swait.ge [sflag:s21], $0x3400  }
0x8d: {  	[sflag:s21] =	ssyncset.done $0x0  }
0x8e: {  	[sflag:s21] =	ssyncadd.s32 $0xFFFFCC00  }
0x8f: {  	[spmem:s16] =	stream.indirect.scatter.add.f32 [tilespmem:s7], [sflag:$0x3], $0x80, s10, s12, $0xb8;
	[tilespmem:$0x1F680] =	vst v63  }
0x90: {  	_ =	swait.ge [sflag:s30], $0x3400  }
0x91: {  	[sflag:s30] =	ssyncset.done $0x0  }
0x92: {  	[sflag:s30] =	ssyncadd.s32 $0xFFFFCC00  }
0x93: {  	[spmem:s16] =	stream.indirect.scatter.add.f32 [tilespmem:s18], [sflag:$0x4], $0x80, s17, s12, $0xb8;
	[tilespmem:$0x1F680] =	vst v63  }
0x94: {  	_ =	swait.ge [sflag:s13], $0x3400  }
0x95: {  	s22 =	sshrl.u32 s1, $0x3;
	[sflag:s13] =	ssyncset.done $0x0  }
0x96: {  	s23 =	sadd.s32 s14, s22;
	[sflag:s13] =	ssyncadd.s32 $0xFFFFCC00  }
0x97: {  	[tilespmem:s0], [sflag:$0x5] =	stream.linear.gather [hbm4b:s23+s0], $0x68, $0x38;
	[tilespmem:$0x1F680] =	vst v63  }
0x98: {  	_ =	swait.ge [sflag:s8], $0x68  }
0x99: {  	[sflag:s8] =	ssyncset.done $0x0  }
0x9a: {  	s22 =	sadd.s32 s19, s22;
	[sflag:s8] =	ssyncadd.s32 $0xFFFFFF98  }
0x9b: {  	[tilespmem:s10], [sflag:$0x5] =	stream.linear.gather [hbm4b:s22+s0], $0x68, $0x38;
	[tilespmem:$0x1F680] =	vst v63  }
0x9c: {  	_ =	swait.ge [sflag:s8], $0x68  }
0x9d: {  	[sflag:s8] =	ssyncset.done $0x0  }
0x9e: {  	[sflag:s8] =	ssyncadd.s32 $0xFFFFFF98  }
0x9f: {  	[tilespmem:s7], [sflag:$0x1] =	stream.indirect.gather [hbm4b:s11+s12], $0x80, s0, s12, $0xb8;
	[tilespmem:$0x1F680] =	vst v63  }
0xa0: {  	_ =	swait.ge [sflag:s2], $0x3400  }
0xa1: {  	[sflag:s2] =	ssyncset.done $0x0  }
0xa2: {  	s22 =	sadd.s32 s5, s4;
	[sflag:s2] =	ssyncadd.s32 $0xFFFFCC00  }
0xa3: {  	[tilespmem:s15], [sflag:$0x5] =	stream.linear.gather [hbm4b:s22+s0], $0x68, $0x38;
	[tilespmem:$0x1F680] =	vst v63  }
0xa4: {  	_ =	swait.ge [sflag:s8], $0x68  }
0xa5: {  	[sflag:s8] =	ssyncset.done $0x0  }
.Ltmp0:
0xa6: {  	s5 =	sadd.s32 s5, s3;
	[sflag:s8] =	ssyncadd.s32 $0xFFFFFF98;
	(pc) =	sbr.rel @p1 .LBB2_2-.Ltmp0, $4  }
0xa7: {  	[tilespmem:s17], [sflag:$0x5] =	stream.linear.gather [hbm4b:s5+s0], $0x68, $0x38;
	[tilespmem:$0x1F680] =	vst v63  }
0xa8: {  	_ =	swait.ge [sflag:s8], $0x68  }
0xa9: {  	[sflag:s8] =	ssyncset.done $0x0  }
0xaa: {  	s1 =	sadd.s32 $0xD0, s1;
	[sflag:s8] =	ssyncadd.s32 $0xFFFFFF98  }
0xab: {  	[tilespmem:s18], [sflag:$0x2] =	stream.indirect.gather [hbm4b:s11+s12], $0x80, s15, s12, $0xb8;
	[tilespmem:$0x1F680] =	vst v63  }
0xac: {  	_ =	swait.ge [sflag:s21], $0x3400  }
0xad: {  	[sflag:s21] =	ssyncset.done $0x0  }
0xae: {  	[sflag:s21] =	ssyncadd.s32 $0xFFFFCC00  }
0xaf: {  	[spmem:s16] =	stream.indirect.scatter.add.f32 [tilespmem:s7], [sflag:$0x3], $0x80, s10, s12, $0xb8;
	[tilespmem:$0x1F680] =	vst v63  }
0xb0: {  	_ =	swait.ge [sflag:s30], $0x3400  }
0xb1: {  	[sflag:s30] =	ssyncset.done $0x0  }
0xb2: {  	[sflag:s30] =	ssyncadd.s32 $0xFFFFCC00  }
0xb3: {  	[spmem:s16] =	stream.indirect.scatter.add.f32 [tilespmem:s18], [sflag:$0x4], $0x80, s17, s12, $0xb8;
	[tilespmem:$0x1F680] =	vst v63  }
0xb4: {  	_ =	swait.ge [sflag:s13], $0x3400  }
0xb5: {  	[sflag:s13] =	ssyncset.done $0x0  }
0xb6: {  	[sflag:s13] =	ssyncadd.s32 $0xFFFFCC00  }
0xb7: {  	_ =	swait.ge [sflag:s2], $0x3400  }
0xb8: {  	[sflag:s2] =	ssyncset.done $0x0  }
0xb9: {  	[sflag:s2] =	ssyncadd.s32 $0xFFFFCC00  }
0xba: {  	[bflag:$0x0] =	sbarrier.arrive $0xFFFF  }
0xbb: {  	s31 =	rddreg [dreg:$0x15]  }
0xbc: {  	[tilespmem:s7], [sflag:$0x5] =	stream.linear.gather [spmem:s31], $0x3400, $0x38;
	[tilespmem:$0x1F680] =	vst v63  }
0xbd: {  	_ =	swait.ge [sflag:s8], $0x3400  }
0xbe: {  	[sflag:s8] =	ssyncset.done $0x0  }
0xbf: {  	s1 =	rddreg [dreg:$0x5];
	[sflag:s8] =	ssyncadd.s32 $0xFFFFCC00  }
0xc0: {  	[hbm4b:s1+s0] =	stream.linear.scatter [tilespmem:s7], [sflag:$0x3], $0x3400, $0x38;
	[tilespmem:$0x1F680] =	vst v63  }
0xc1: {  	s24 =	rddreg [dreg:$0x16]  }
0xc2: {  	[tilespmem:s18], [sflag:$0x5] =	stream.linear.gather [spmem:s24], $0x3400, $0x38;
	[tilespmem:$0x1F680] =	vst v63  }
0xc3: {  	_ =	swait.ge [sflag:s8], $0x3400  }
0xc4: {  	[sflag:s8] =	ssyncset.done $0x0  }
0xc5: {  	s5 =	rddreg [dreg:$0x6];
	[sflag:s8] =	ssyncadd.s32 $0xFFFFCC00  }
0xc6: {  	[hbm4b:s5+s0] =	stream.linear.scatter [tilespmem:s18], [sflag:$0x4], $0x3400, $0x38;
	[tilespmem:$0x1F680] =	vst v63  }
0xc7: {  	_ =	swait.ge [sflag:s13], $0x3400  }
0xc8: {  	[sflag:s13] =	ssyncset.done $0x0  }
0xc9: {  	[sflag:s13] =	ssyncadd.s32 $0xFFFFCC00  }
0xca: {  	[tilespmem:s7], [sflag:$0x5] =	stream.linear.gather [spmem:s25], $0x3400, $0x38;
	[tilespmem:$0x1F680] =	vst v63  }
0xcb: {  	_ =	swait.ge [sflag:s8], $0x3400  }
0xcc: {  	[sflag:s8] =	ssyncset.done $0x0  }
0xcd: {  	s22 =	rddreg [dreg:$0x7];
	[sflag:s8] =	ssyncadd.s32 $0xFFFFCC00  }
0xce: {  	[hbm4b:s22+s0] =	stream.linear.scatter [tilespmem:s7], [sflag:$0x3], $0x3400, $0x38;
	[tilespmem:$0x1F680] =	vst v63  }
0xcf: {  	_ =	swait.ge [sflag:s2], $0x3400  }
0xd0: {  	[sflag:s2] =	ssyncset.done $0x0  }
0xd1: {  	[sflag:s2] =	ssyncadd.s32 $0xFFFFCC00  }
0xd2: {  	[tilespmem:s18], [sflag:$0x5] =	stream.linear.gather [spmem:s26], $0x3400, $0x38;
	[tilespmem:$0x1F680] =	vst v63  }
0xd3: {  	_ =	swait.ge [sflag:s8], $0x3400  }
0xd4: {  	[sflag:s8] =	ssyncset.done $0x0  }
0xd5: {  	s23 =	rddreg [dreg:$0x8];
	[sflag:s8] =	ssyncadd.s32 $0xFFFFCC00  }
0xd6: {  	[hbm4b:s23+s0] =	stream.linear.scatter [tilespmem:s18], [sflag:$0x4], $0x3400, $0x38;
	[tilespmem:$0x1F680] =	vst v63  }
0xd7: {  	_ =	swait.ge [sflag:s13], $0x3400  }
0xd8: {  	[sflag:s13] =	ssyncset.done $0x0  }
0xd9: {  	[sflag:s13] =	ssyncadd.s32 $0xFFFFCC00  }
0xda: {  	[tilespmem:s7], [sflag:$0x5] =	stream.linear.gather [spmem:s28], $0x3400, $0x38;
	[tilespmem:$0x1F680] =	vst v63  }
0xdb: {  	_ =	swait.ge [sflag:s8], $0x3400  }
0xdc: {  	[sflag:s8] =	ssyncset.done $0x0  }
0xdd: {  	s5 =	rddreg [dreg:$0x9];
	[sflag:s8] =	ssyncadd.s32 $0xFFFFCC00  }
0xde: {  	[hbm4b:s5+s0] =	stream.linear.scatter [tilespmem:s7], [sflag:$0x3], $0x3400, $0x38;
	[tilespmem:$0x1F680] =	vst v63  }
0xdf: {  	_ =	swait.ge [sflag:s2], $0x3400  }
0xe0: {  	[sflag:s2] =	ssyncset.done $0x0  }
0xe1: {  	[sflag:s2] =	ssyncadd.s32 $0xFFFFCC00  }
0xe2: {  	[tilespmem:s18], [sflag:$0x5] =	stream.linear.gather [spmem:s6], $0x3400, $0x38;
	[tilespmem:$0x1F680] =	vst v63  }
0xe3: {  	_ =	swait.ge [sflag:s8], $0x3400  }
0xe4: {  	[sflag:s8] =	ssyncset.done $0x0  }
0xe5: {  	s22 =	rddreg [dreg:$0xa];
	[sflag:s8] =	ssyncadd.s32 $0xFFFFCC00  }
0xe6: {  	[hbm4b:s22+s0] =	stream.linear.scatter [tilespmem:s18], [sflag:$0x4], $0x3400, $0x38;
	[tilespmem:$0x1F680] =	vst v63  }
0xe7: {  	_ =	swait.ge [sflag:s13], $0x3400  }
0xe8: {  	[sflag:s13] =	ssyncset.done $0x0  }
0xe9: {  	[sflag:s13] =	ssyncadd.s32 $0xFFFFCC00  }
0xea: {  	_ =	swait.ge [sflag:s2], $0x3400  }
0xeb: {  	s1 =	simm.s32 @!p0 $0x200;
	[sflag:s2] =	ssyncset.done $0x0  }
0xec: {  	s5 =	simm.s32 @!p0 $0x5;
	s29 =	rddreg [dreg:$0x1e];
	[sflag:s2] =	ssyncadd.s32 $0xFFFFCC00  }
0xed: {  	[tilespmem:s1], [sflag:$0x5] =	stream.linear.gather @!p0 [spmem:s29], $0x800, $0x38;
	[tilespmem:$0x1F680] =	vst v63  }
0xee: {  	_ =	swait.ge @!p0 [sflag:s5], $0x800  }
0xef: {  	[sflag:s5] =	ssyncset.done @!p0 $0x0  }
0xf0: {  	s22 =	simm.s32 @!p0 $0x0;
	s23 =	rddreg [dreg:$0xb];
	[sflag:s5] =	ssyncadd.s32 @!p0 $0xFFFFF800  }
0xf1: {  	[hbm4b:s23+s22] =	stream.linear.scatter @!p0 [tilespmem:s1], [sflag:$0x5], $0x800, $0x38;
	[tilespmem:$0x1F680] =	vst v63  }
0xf2: {  	_ =	swait.ge @!p0 [sflag:s5], $0x800  }
0xf3: {  	[sflag:s5] =	ssyncset.done @!p0 $0x0  }
0xf4: {  	[sflag:s5] =	ssyncadd.s32 @!p0 $0xFFFFF800  }
0xf5: {  	[bflag:$0x0] =	sbarrier.arrive $0xFFFF  }
0xf6: {  	s23 =	rddreg [dreg:$0x13]  }
0xf7: {  	[tilespmem:s7], [sflag:$0x5] =	stream.linear.gather [hbm4b:s23+s0], $0x3400, $0x38;
	[tilespmem:$0x1F680] =	vst v63  }
0xf8: {  	_ =	swait.ge [sflag:s8], $0x3400  }
0xf9: {  	[sflag:s8] =	ssyncset.done $0x0  }
0xfa: {  	[sflag:s8] =	ssyncadd.s32 $0xFFFFCC00  }
0xfb: {  	[spmem:s31] =	stream.linear.scatter [tilespmem:s7], [sflag:$0x5], $0x3400, $0x38;
	[tilespmem:$0x1F680] =	vst v63  }
0xfc: {  	_ =	swait.ge [sflag:s8], $0x3400  }
0xfd: {  	[sflag:s8] =	ssyncset.done $0x0  }
0xfe: {  	[sflag:s8] =	ssyncadd.s32 $0xFFFFCC00  }
0xff: {  	[spmem:s24] =	stream.linear.scatter [tilespmem:s7], [sflag:$0x5], $0x3400, $0x38;
	[tilespmem:$0x1F680] =	vst v63  }
0x100: {  	_ =	swait.ge [sflag:s8], $0x3400  }
0x101: {  	[sflag:s8] =	ssyncset.done $0x0  }
0x102: {  	s24 =	smov.u32 s25;
	[sflag:s8] =	ssyncadd.s32 $0xFFFFCC00  }
0x103: {  	[spmem:s24] =	stream.linear.scatter [tilespmem:s7], [sflag:$0x5], $0x3400, $0x38;
	[tilespmem:$0x1F680] =	vst v63  }
0x104: {  	_ =	swait.ge [sflag:s8], $0x3400  }
0x105: {  	[sflag:s8] =	ssyncset.done $0x0  }
0x106: {  	s25 =	smov.u32 s26;
	[sflag:s8] =	ssyncadd.s32 $0xFFFFCC00  }
0x107: {  	[spmem:s25] =	stream.linear.scatter [tilespmem:s7], [sflag:$0x5], $0x3400, $0x38;
	[tilespmem:$0x1F680] =	vst v63  }
0x108: {  	_ =	swait.ge [sflag:s8], $0x3400  }
0x109: {  	[sflag:s8] =	ssyncset.done $0x0  }
0x10a: {  	s26 =	smov.u32 s28;
	[sflag:s8] =	ssyncadd.s32 $0xFFFFCC00  }
0x10b: {  	[spmem:s26] =	stream.linear.scatter [tilespmem:s7], [sflag:$0x5], $0x3400, $0x38;
	[tilespmem:$0x1F680] =	vst v63  }
0x10c: {  	_ =	swait.ge [sflag:s8], $0x3400  }
0x10d: {  	[sflag:s8] =	ssyncset.done $0x0  }
0x10e: {  	[sflag:s8] =	ssyncadd.s32 $0xFFFFCC00  }
0x10f: {  	[spmem:s6] =	stream.linear.scatter [tilespmem:s7], [sflag:$0x5], $0x3400, $0x38;
	[tilespmem:$0x1F680] =	vst v63  }
0x110: {  	_ =	swait.ge [sflag:s8], $0x3400  }
0x111: {  	[sflag:s8] =	ssyncset.done $0x0  }
0x112: {  	s23 =	rddreg [dreg:$0x17];
	[sflag:s8] =	ssyncadd.s32 $0xFFFFCC00  }
0x113: {  	[spmem:s23] =	stream.linear.scatter [tilespmem:s7], [sflag:$0x5], $0x2000, $0x38;
	[tilespmem:$0x1F680] =	vst v63  }
0x114: {  	_ =	swait.ge [sflag:s8], $0x2000  }
0x115: {  	[sflag:s8] =	ssyncset.done $0x0  }
0x116: {  	[sflag:s8] =	ssyncadd.s32 $0xFFFFE000  }
0x117: {  	[spmem:s29] =	stream.linear.scatter @!p0 [tilespmem:s1], [sflag:$0x5], $0x800, $0x38;
	[tilespmem:$0x1F680] =	vst v63  }
0x118: {  	_ =	swait.ge @!p0 [sflag:s5], $0x800  }
0x119: {  	[sflag:s5] =	ssyncset.done @!p0 $0x0  }
0x11a: {  	[sflag:s5] =	ssyncadd.s32 @!p0 $0xFFFFF800  }
0x11b: {  	[bflag:$0x0] =	sbarrier.arrive $0xFFFF  }
0x11c: {  	s1 =	simm.s32 $0x0;
	s22 =	rddreg [dreg:$0x19]  }
0x11d: {  	[tilespmem:s10], [sflag:$0x1] =	stream.linear.gather [hbm4b:s22+s1], $0x68, $0x38;
	[tilespmem:$0x1F680] =	vst v63  }
0x11e: {  	s23 =	rddreg [dreg:$0x1b]  }
0x11f: {  	[tilespmem:s17], [sflag:$0x2] =	stream.linear.gather [hbm4b:s23+s1], $0x68, $0x38;
	[tilespmem:$0x1F680] =	vst v63  }
0x120: {  	_ =	swait.ge [sflag:s21], $0x68  }
0x121: {  	[sflag:s21] =	ssyncset.done $0x0  }
0x122: {  	[sflag:s21] =	ssyncadd.s32 $0xFFFFFF98  }
0x123: {  	[spmem:s16] =	stream.indirect.scatter.add.f32 [tilespmem:s9], [sflag:$0x3], $0x80, s10, s12, $0xb8;
	[tilespmem:$0x1F680] =	vst v63  }
0x124: {  	_ =	swait.ge [sflag:s30], $0x68  }
0x125: {  	[sflag:s30] =	ssyncset.done $0x0  }
0x126: {  	[sflag:s30] =	ssyncadd.s32 $0xFFFFFF98  }
0x127: {  	[spmem:s16] =	stream.indirect.scatter.add.f32 [tilespmem:s9], [sflag:$0x4], $0x80, s17, s12, $0xb8;
	[tilespmem:$0x1F680] =	vst v63  }
0x128: {  	_ =	swait.ge [sflag:s13], $0x3400  }
0x129: {  	[sflag:s13] =	ssyncset.done $0x0  }
0x12a: {  	s22 =	rddreg [dreg:$0x1f];
	[sflag:s13] =	ssyncadd.s32 $0xFFFFCC00  }
0x12b: {  	[tilespmem:s10], [sflag:$0x1] =	stream.linear.gather [hbm4b:s22+s0], $0x68, $0x38;
	[tilespmem:$0x1F680] =	vst v63  }
0x12c: {  	s31 =	sadd.s32 $0x0, s3;
	s28 =	smov.u32 s6;
	_ =	swait.ge [sflag:s2], $0x3400  }
0x12d: {  	s6 =	smov.u32 s29;
	[sflag:s2] =	ssyncset.done $0x0;
	s23 =	rddreg [dreg:$0x1d]  }
0x12e: {  	s1 =	simm.s32 $0x1A;
	[sflag:s2] =	ssyncadd.s32 $0xFFFFCC00;
	s29 =	sadd.s32 $0xD0, s23  }
.LBB2_4:
0x12f: {  	[tilespmem:s17], [sflag:$0x2] =	stream.linear.gather [hbm4b:s31+s0], $0x68, $0x38;
	[tilespmem:$0x1F680] =	vst v63  }
0x130: {  	s5 =	smov.u32 s1  }
0x131: {  	p1 =	sne.s32 s1, $0x4C6;
	s1 =	sadd.s32 $0x1A, s1;
	_ =	swait.ge [sflag:s21], $0x68  }
0x132: {  	[sflag:s21] =	ssyncset.done $0x0  }
0x133: {  	[sflag:s21] =	ssyncadd.s32 $0xFFFFFF98  }
0x134: {  	[spmem:s16] =	stream.indirect.scatter.add.f32 [tilespmem:s9], [sflag:$0x3], $0x80, s10, s12, $0xb8;
	[tilespmem:$0x1F680] =	vst v63  }
0x135: {  	_ =	swait.ge [sflag:s30], $0x68  }
0x136: {  	[sflag:s30] =	ssyncset.done $0x0  }
0x137: {  	[sflag:s30] =	ssyncadd.s32 $0xFFFFFF98  }
0x138: {  	[spmem:s16] =	stream.indirect.scatter.add.f32 [tilespmem:s9], [sflag:$0x4], $0x80, s17, s12, $0xb8;
	[tilespmem:$0x1F680] =	vst v63  }
0x139: {  	_ =	swait.ge [sflag:s13], $0x3400  }
0x13a: {  	s22 =	sshrl.u32 s29, $0x3;
	[sflag:s13] =	ssyncset.done $0x0  }
.Ltmp1:
0x13b: {  	s22 =	sadd.s32 s19, s22;
	[sflag:s13] =	ssyncadd.s32 $0xFFFFCC00;
	(pc) =	sbr.rel @p1 .LBB2_4-.Ltmp1, $4  }
0x13c: {  	[tilespmem:s10], [sflag:$0x1] =	stream.linear.gather [hbm4b:s22+s0], $0x68, $0x38;
	[tilespmem:$0x1F680] =	vst v63  }
0x13d: {  	_ =	swait.ge [sflag:s2], $0x3400  }
0x13e: {  	[sflag:s2] =	ssyncset.done $0x0  }
0x13f: {  	s29 =	sadd.s32 $0xD0, s29;
	s31 =	sadd.s32 s5, s3;
	[sflag:s2] =	ssyncadd.s32 $0xFFFFCC00  }
0x140: {  	[tilespmem:s17], [sflag:$0x2] =	stream.linear.gather [hbm4b:s31+s0], $0x68, $0x38;
	[tilespmem:$0x1F680] =	vst v63  }
0x141: {  	_ =	swait.ge [sflag:s21], $0x68  }
0x142: {  	[sflag:s21] =	ssyncset.done $0x0  }
0x143: {  	[sflag:s21] =	ssyncadd.s32 $0xFFFFFF98  }
0x144: {  	[spmem:s16] =	stream.indirect.scatter.add.f32 [tilespmem:s9], [sflag:$0x3], $0x80, s10, s12, $0xb8;
	[tilespmem:$0x1F680] =	vst v63  }
0x145: {  	_ =	swait.ge [sflag:s30], $0x68  }
0x146: {  	[sflag:s30] =	ssyncset.done $0x0  }
0x147: {  	[sflag:s30] =	ssyncadd.s32 $0xFFFFFF98  }
0x148: {  	[spmem:s16] =	stream.indirect.scatter.add.f32 [tilespmem:s9], [sflag:$0x4], $0x80, s17, s12, $0xb8;
	[tilespmem:$0x1F680] =	vst v63  }
0x149: {  	_ =	swait.ge [sflag:s13], $0x3400  }
0x14a: {  	[sflag:s13] =	ssyncset.done $0x0  }
0x14b: {  	[sflag:s13] =	ssyncadd.s32 $0xFFFFCC00  }
0x14c: {  	_ =	swait.ge [sflag:s2], $0x3400  }
0x14d: {  	[sflag:s2] =	ssyncset.done $0x0  }
0x14e: {  	[sflag:s2] =	ssyncadd.s32 $0xFFFFCC00  }
0x14f: {  	[bflag:$0x0] =	sbarrier.arrive $0xFFFF  }
0x150: {  	s29 =	rddreg [dreg:$0x15]  }
0x151: {  	[tilespmem:s7], [sflag:$0x5] =	stream.linear.gather [spmem:s29], $0x3400, $0x38;
	[tilespmem:$0x1F680] =	vst v63  }
0x152: {  	_ =	swait.ge [sflag:s8], $0x3400  }
0x153: {  	[sflag:s8] =	ssyncset.done $0x0  }
0x154: {  	s1 =	rddreg [dreg:$0xc];
	[sflag:s8] =	ssyncadd.s32 $0xFFFFCC00  }
0x155: {  	[hbm4b:s1+s0] =	stream.linear.scatter [tilespmem:s7], [sflag:$0x3], $0x3400, $0x38;
	[tilespmem:$0x1F680] =	vst v63  }
0x156: {  	s31 =	rddreg [dreg:$0x16]  }
0x157: {  	[tilespmem:s18], [sflag:$0x5] =	stream.linear.gather [spmem:s31], $0x3400, $0x38;
	[tilespmem:$0x1F680] =	vst v63  }
0x158: {  	_ =	swait.ge [sflag:s8], $0x3400  }
0x159: {  	[sflag:s8] =	ssyncset.done $0x0  }
0x15a: {  	s5 =	rddreg [dreg:$0xd];
	[sflag:s8] =	ssyncadd.s32 $0xFFFFCC00  }
0x15b: {  	[hbm4b:s5+s0] =	stream.linear.scatter [tilespmem:s18], [sflag:$0x4], $0x3400, $0x38;
	[tilespmem:$0x1F680] =	vst v63  }
0x15c: {  	_ =	swait.ge [sflag:s13], $0x3400  }
0x15d: {  	[sflag:s13] =	ssyncset.done $0x0  }
0x15e: {  	[sflag:s13] =	ssyncadd.s32 $0xFFFFCC00  }
0x15f: {  	[tilespmem:s7], [sflag:$0x5] =	stream.linear.gather [spmem:s24], $0x3400, $0x38;
	[tilespmem:$0x1F680] =	vst v63  }
0x160: {  	_ =	swait.ge [sflag:s8], $0x3400  }
0x161: {  	[sflag:s8] =	ssyncset.done $0x0  }
0x162: {  	s22 =	rddreg [dreg:$0xe];
	[sflag:s8] =	ssyncadd.s32 $0xFFFFCC00  }
0x163: {  	[hbm4b:s22+s0] =	stream.linear.scatter [tilespmem:s7], [sflag:$0x3], $0x3400, $0x38;
	[tilespmem:$0x1F680] =	vst v63  }
0x164: {  	_ =	swait.ge [sflag:s2], $0x3400  }
0x165: {  	[sflag:s2] =	ssyncset.done $0x0  }
0x166: {  	[sflag:s2] =	ssyncadd.s32 $0xFFFFCC00  }
0x167: {  	[tilespmem:s18], [sflag:$0x5] =	stream.linear.gather [spmem:s25], $0x3400, $0x38;
	[tilespmem:$0x1F680] =	vst v63  }
0x168: {  	_ =	swait.ge [sflag:s8], $0x3400  }
0x169: {  	[sflag:s8] =	ssyncset.done $0x0  }
0x16a: {  	s23 =	rddreg [dreg:$0xf];
	[sflag:s8] =	ssyncadd.s32 $0xFFFFCC00  }
0x16b: {  	[hbm4b:s23+s0] =	stream.linear.scatter [tilespmem:s18], [sflag:$0x4], $0x3400, $0x38;
	[tilespmem:$0x1F680] =	vst v63  }
0x16c: {  	_ =	swait.ge [sflag:s13], $0x3400  }
0x16d: {  	[sflag:s13] =	ssyncset.done $0x0  }
0x16e: {  	[sflag:s13] =	ssyncadd.s32 $0xFFFFCC00  }
0x16f: {  	[tilespmem:s7], [sflag:$0x5] =	stream.linear.gather [spmem:s26], $0x3400, $0x38;
	[tilespmem:$0x1F680] =	vst v63  }
0x170: {  	_ =	swait.ge [sflag:s8], $0x3400  }
0x171: {  	[sflag:s8] =	ssyncset.done $0x0  }
0x172: {  	s5 =	rddreg [dreg:$0x10];
	[sflag:s8] =	ssyncadd.s32 $0xFFFFCC00  }
0x173: {  	[hbm4b:s5+s0] =	stream.linear.scatter [tilespmem:s7], [sflag:$0x3], $0x3400, $0x38;
	[tilespmem:$0x1F680] =	vst v63  }
0x174: {  	_ =	swait.ge [sflag:s2], $0x3400  }
0x175: {  	[sflag:s2] =	ssyncset.done $0x0  }
0x176: {  	[sflag:s2] =	ssyncadd.s32 $0xFFFFCC00  }
0x177: {  	[tilespmem:s18], [sflag:$0x5] =	stream.linear.gather [spmem:s28], $0x3400, $0x38;
	[tilespmem:$0x1F680] =	vst v63  }
0x178: {  	_ =	swait.ge [sflag:s8], $0x3400  }
0x179: {  	[sflag:s8] =	ssyncset.done $0x0  }
0x17a: {  	s22 =	rddreg [dreg:$0x11];
	[sflag:s8] =	ssyncadd.s32 $0xFFFFCC00  }
0x17b: {  	[hbm4b:s22+s0] =	stream.linear.scatter [tilespmem:s18], [sflag:$0x4], $0x3400, $0x38;
	[tilespmem:$0x1F680] =	vst v63  }
0x17c: {  	_ =	swait.ge [sflag:s13], $0x3400  }
0x17d: {  	[sflag:s13] =	ssyncset.done $0x0  }
0x17e: {  	[sflag:s13] =	ssyncadd.s32 $0xFFFFCC00  }
0x17f: {  	_ =	swait.ge [sflag:s2], $0x3400  }
0x180: {  	[sflag:s2] =	ssyncset.done $0x0  }
0x181: {  	s1 =	simm.s32 @!p0 $0x200;
	s5 =	simm.s32 @!p0 $0x5;
	[sflag:s2] =	ssyncadd.s32 $0xFFFFCC00  }
0x182: {  	[tilespmem:s1], [sflag:$0x5] =	stream.linear.gather @!p0 [spmem:s6], $0x800, $0x38;
	[tilespmem:$0x1F680] =	vst v63  }
0x183: {  	_ =	swait.ge @!p0 [sflag:s5], $0x800  }
0x184: {  	[sflag:s5] =	ssyncset.done @!p0 $0x0  }
0x185: {  	s22 =	simm.s32 @!p0 $0x0;
	s23 =	rddreg [dreg:$0x12];
	[sflag:s5] =	ssyncadd.s32 @!p0 $0xFFFFF800  }
0x186: {  	[hbm4b:s23+s22] =	stream.linear.scatter @!p0 [tilespmem:s1], [sflag:$0x5], $0x800, $0x38;
	[tilespmem:$0x1F680] =	vst v63  }
0x187: {  	_ =	swait.ge @!p0 [sflag:s5], $0x800  }
0x188: {  	s20 =	sadd.s32 $0x1, s20;
	s23 =	rddreg [dreg:$0x1c]  }
0x189: {  	p1 =	sne.s32 s20, s23  }
.Ltmp2:
0x18a: {  	_ = 	snop;
	(pc) =	sbr.rel @p1 .LBB2_1-.Ltmp2, $3  }
0x18b: {  	_ =	sdelay $0x1  }
0x18c: {  	[sflag:s5] =	ssyncset.done @!p0 $0x0  }
0x18d: {  	[sflag:s5] =	ssyncadd.s32 @!p0 $0xFFFFF800  }
0x18e: {  	_ =	sfence.sel $0x180000  }
0x18f: {  	[bflag:$0x0] =	sbarrier.arrive $0xFFFF  }
0x190: {  	_ =	strace $0x90000047  }
0x191: {  	[bflag:$0x2] =	sbarrier.arrive $0xFFFF  }
0x192: {  	s0 =	rddreg [dreg:$0x4]  }
0x193: {  	s0 =	sadd.s32 @!p0 $0x100000, s0  }
0x194: {  	[sflag:s0] =	ssyncadd.tile.s32 @!p0 $0x1;
	_ =	shalt  }
.Lfunc_end2:
_tile_overlayer_lowered:
.L_overlay_start_2:
0x195: {  	(tag) =	ssettag $0x2  }
0x196: {  	s0 =	rddreg [dreg:$0x0];
	s2 =	stileid.u32  }
0x197: {  	s1 =	rddreg [dreg:$0x1];
	p0 =	sne.s32 s2, $0x0  }
0x198: {  	s3 =	rddreg [dreg:$0x2];
	[bflag:$0x3] =	sbarrier.arrive $0xFFFF;
	s2 =	simm.s32 @!p0 $0x1C05  }
0x199: {  	[timem:s3], [sflag:s2] =	dma.local @!p0 [hbm:s0], s1  }
0x19a: {  	s0 =	simm.s32 @!p0 $0x5  }
0x19b: {  	_ =	swait.ge @!p0 [sflag:s0], s1  }
0x19c: {  	s1 =	ssub.s32 @!p0 $0x0, s1;
	[sflag:s0] =	ssyncset.done @!p0 $0x0  }
0x19d: {  	[sflag:s0] =	ssyncadd.s32 @!p0 s1  }
0x19e: {  	[bflag:$0x3] =	sbarrier.arrive $0xFFFF  }
0x19f: {  	_ =	shalt  }

</sc_bundles>
